<compile_context>
chip_gen: v7x
topology: tpu7x:2x2x1
jax: 0.10.2.dev20260603
libtpu: 0.0.44.dev20260713+nightly
codegen_flags: <defaults>
</compile_context>

<pallas_src>
import jax
import jax.numpy as jnp
from jax import lax
from jax.experimental import pallas as pl
from jax.experimental.pallas import tpu as pltpu
from jax.experimental.pallas import tpu_sc as plsc
from jax._src.pallas import mpmd

_I = 13
_LB = -500000.0
_N_STATES = 1000001

_B = 16384
_NC = 2
_NS = 16
_NW = _NC * _NS
_BPW = _B // _NW
_CHUNK = 128
_NCHUNK = _BPW // _CHUNK
_LANES = 16
_MAGIC = 8388608.0

_scalar_mesh = plsc.ScalarSubcoreMesh(axis_name="c", num_cores=_NC)
_vector_mesh = plsc.VectorSubcoreMesh(core_axis_name="c", subcore_axis_name="s")


def _scs_body(xi_hbm, table_hbm, out_hbm, xi_v, idx_v, val_v, tab_s,
              g0, g1, g2, g3, osem, rdy):
    pltpu.sync_copy(table_hbm, tab_s)
    pl.semaphore_signal(rdy, 1, device_id={"s": 0})


def _tec_body(xi_hbm, table_hbm, out_hbm, xi_v, idx_v, val_v, tab_s,
              g0, g1, g2, g3, osem, rdy):
    cid = lax.axis_index("c")
    sid = lax.axis_index("s")
    wid = sid * _NC + cid
    base = wid * _BPW

    pltpu.sync_copy(xi_hbm.at[pl.ds(base, _BPW)], xi_v)

    groups_per_chunk = _CHUNK // _LANES
    for j in range(_BPW // _LANES):
        xi = xi_v[pl.ds(j * _LANES, _LANES)]
        v = xi - _LB
        v = jnp.minimum(jnp.maximum(v, 0.0), float(_N_STATES - 1))
        v = (v + _MAGIC) - _MAGIC
        idx = v.astype(jnp.int32)
        idx_v[j // groups_per_chunk,
              pl.ds((j % groups_per_chunk) * _LANES, _LANES)] = idx

    @pl.when(sid == 0)
    def _():
        pl.semaphore_wait(rdy, 1)

    plsc.subcore_barrier()

    gsems = (g0, g1, g2, g3)
    gathers = [
        pltpu.async_copy(
            tab_s.at[idx_v.at[c]],
            val_v.at[pl.ds(c * _CHUNK, _CHUNK)],
            gsems[c],
        )
        for c in range(_NCHUNK)
    ]
    outs = []
    for c in range(_NCHUNK):
        gathers[c].wait()
        outs.append(pltpu.async_copy(
            val_v.at[pl.ds(c * _CHUNK, _CHUNK)],
            out_hbm.at[pl.ds(base + c * _CHUNK, _CHUNK)],
            osem))
    for cp in outs:
        cp.wait()


_table_gather = mpmd.mpmd_map(
    [(_scalar_mesh, _scs_body), (_vector_mesh, _tec_body)],
    jax.ShapeDtypeStruct((_B,), jnp.float32),
    scratch_types=[
        pltpu.VMEM((_BPW,), jnp.float32) @ _vector_mesh,
        pltpu.VMEM((_NCHUNK, _CHUNK), jnp.int32) @ _vector_mesh,
        pltpu.VMEM((_BPW,), jnp.float32) @ _vector_mesh,
        pltpu.VMEM_SHARED((_N_STATES,), jnp.float32),
        pltpu.SemaphoreType.DMA @ _vector_mesh,
        pltpu.SemaphoreType.DMA @ _vector_mesh,
        pltpu.SemaphoreType.DMA @ _vector_mesh,
        pltpu.SemaphoreType.DMA @ _vector_mesh,
        pltpu.SemaphoreType.DMA @ _vector_mesh,
        pltpu.SemaphoreType.REGULAR @ _vector_mesh,
    ],
)


def kernel(x, table):
    return _table_gather(lax.slice(x, (0, _I), (_B, _I + 1)).reshape(_B), table)[:, None]

# --- scband reference (transcript-rebuilt; emitter-appended) ---
"""Pipeline reference for scband-table-actor1-d-89215060673269 (READ-ONLY COPY).

The authoritative reference and input builder live on the scoring server;
editing this copy changes nothing except your own understanding.
"""

import jax, jax.numpy as jnp
import numpy as np

I = 13
LB = -500000.0
UB = 500000.0
SIZE = 1.0
N_STATES = int(round((UB - LB) / SIZE)) + 1


def setup_inputs(seed: int = 0) -> dict:
    key = jax.random.key(seed)
    k1, = jax.random.split(key, 1)
    x = jax.random.normal(k1, (16384, 26), dtype=jnp.float32)
    table = jnp.full((N_STATES,), 0.5, dtype=jnp.float32)
    return {"x": x, "table": table}


def reference(x, table):
    xi = x[:, I]
    q_signed = xi * SIZE
    idx = jnp.round((q_signed - LB) / SIZE).astype(jnp.int32)
    idx = jnp.clip(idx, 0, N_STATES - 1)
    return jnp.take(table, idx, axis=0)[:, None]

if __name__ == "__main__":
    import jax
    _d = setup_inputs()
    print(jax.jit(kernel)(*tuple(_d.values())))

</pallas_src>

<mosaic_0001>
#map = affine_map<(d0) -> (0)>
#map1 = affine_map<(d0, d1) -> (0)>
module attributes {stable_mosaic.version = 14 : i64} {
  func.func @_scs_body(%arg0: i32, %arg1: memref<16384xf32, #tpu.memory_space<hbm>>, %arg2: memref<1000001xf32, #tpu.memory_space<hbm>>, %arg3: memref<16384xf32, #tpu.memory_space<hbm>>, %arg4: memref<512xf32, #tpu.memory_space<vmem, sc_vector_subcore>>, %arg5: memref<4x128xi32, #tpu.memory_space<vmem, sc_vector_subcore>>, %arg6: memref<512xf32, #tpu.memory_space<vmem, sc_vector_subcore>>, %arg7: memref<1000001xf32, #tpu.memory_space<vmem_shared>>, %arg8: memref<!tpu.dma_semaphore, #tpu.memory_space<semaphore_mem, sc_vector_subcore>>, %arg9: memref<!tpu.dma_semaphore, #tpu.memory_space<semaphore_mem, sc_vector_subcore>>, %arg10: memref<!tpu.dma_semaphore, #tpu.memory_space<semaphore_mem, sc_vector_subcore>>, %arg11: memref<!tpu.dma_semaphore, #tpu.memory_space<semaphore_mem, sc_vector_subcore>>, %arg12: memref<!tpu.dma_semaphore, #tpu.memory_space<semaphore_mem, sc_vector_subcore>>, %arg13: memref<!tpu.semaphore, #tpu.memory_space<semaphore_mem, sc_vector_subcore>>) attributes {dimension_semantics = [#tpu.dimension_semantics<core_parallel>], iteration_bounds = array<i64: 2>, scalar_prefetch = 0 : i64, scratch_operands = 10 : i64, tpu.core_type = #tpu.core_type<sc_scalar_subcore>, window_params = [{transform_indices = #map}, {transform_indices = #map}, {transform_indices = #map}]} {
    "tpu.region"() ({
      %run_scoped3A = tpu.sem_alloc : memref<!tpu.dma_semaphore, #tpu.memory_space<semaphore_mem>>
      tpu.enqueue_dma source(%arg2 : memref<1000001xf32, #tpu.memory_space<hbm>>) target(%arg7 : memref<1000001xf32, #tpu.memory_space<vmem_shared>>) target_semaphore(%run_scoped3A : memref<!tpu.dma_semaphore, #tpu.memory_space<semaphore_mem>>)
      tpu.wait_dma2 semaphore(%run_scoped3A : memref<!tpu.dma_semaphore, #tpu.memory_space<semaphore_mem>>) src(%arg2 : memref<1000001xf32, #tpu.memory_space<hbm>>) dst(%arg7 : memref<1000001xf32, #tpu.memory_space<vmem_shared>>)
      tpu.yield
    }) : () -> ()
    %semaphore_signal3A = arith.constant 1 : i32
    %semaphore_signal3A_0 = arith.constant 0 : i32
    tpu.sem_signal %arg13, %semaphore_signal3A core_id %arg0 subcore_id %semaphore_signal3A_0 : memref<!tpu.semaphore, #tpu.memory_space<semaphore_mem, sc_vector_subcore>>
    return
  }
  func.func @_tec_body(%arg0: i32, %arg1: i32, %arg2: memref<16384xf32, #tpu.memory_space<hbm>>, %arg3: memref<1000001xf32, #tpu.memory_space<hbm>>, %arg4: memref<16384xf32, #tpu.memory_space<hbm>>, %arg5: memref<512xf32, #tpu.memory_space<vmem>>, %arg6: memref<4x128xi32, #tpu.memory_space<vmem>>, %arg7: memref<512xf32, #tpu.memory_space<vmem>>, %arg8: memref<1000001xf32, #tpu.memory_space<vmem_shared>>, %arg9: memref<!tpu.dma_semaphore, #tpu.memory_space<semaphore_mem>>, %arg10: memref<!tpu.dma_semaphore, #tpu.memory_space<semaphore_mem>>, %arg11: memref<!tpu.dma_semaphore, #tpu.memory_space<semaphore_mem>>, %arg12: memref<!tpu.dma_semaphore, #tpu.memory_space<semaphore_mem>>, %arg13: memref<!tpu.dma_semaphore, #tpu.memory_space<semaphore_mem>>, %arg14: memref<!tpu.semaphore, #tpu.memory_space<semaphore_mem>>) attributes {dimension_semantics = [#tpu.dimension_semantics<core_parallel>, #tpu.dimension_semantics<subcore_parallel>], iteration_bounds = array<i64: 2, 16>, scalar_prefetch = 0 : i64, scratch_operands = 10 : i64, tpu.core_type = #tpu.core_type<sc_vector_subcore>, window_params = [{transform_indices = #map1}, {transform_indices = #map1}, {transform_indices = #map1}]} {
    %mul3A = arith.constant 2 : i32
    %mul3A_0 = arith.muli %arg1, %mul3A : i32
    %add3A = arith.addi %mul3A_0, %arg0 : i32
    %mul3A_1 = arith.constant 512 : i32
    %mul3A_2 = arith.muli %add3A, %mul3A_1 : i32
    "tpu.region"() ({
      %run_scoped3A = tpu.sem_alloc : memref<!tpu.dma_semaphore, #tpu.memory_space<semaphore_mem>>
      %dma_start3A_918 = tpu.memref_slice %arg2[%mul3A_2] : memref<16384xf32, #tpu.memory_space<hbm>> -> memref<512xf32, #tpu.memory_space<hbm>>
      %dma_start3A_919 = tpu.memref_slice %arg2[%mul3A_2] : memref<16384xf32, #tpu.memory_space<hbm>> -> memref<512xf32, #tpu.memory_space<hbm>>
      tpu.enqueue_dma source(%dma_start3A_919 : memref<512xf32, #tpu.memory_space<hbm>>) target(%arg5 : memref<512xf32, #tpu.memory_space<vmem>>) target_semaphore(%run_scoped3A : memref<!tpu.dma_semaphore, #tpu.memory_space<semaphore_mem>>)
      %dma_wait3A_920 = tpu.memref_slice %arg2[%mul3A_2] : memref<16384xf32, #tpu.memory_space<hbm>> -> memref<512xf32, #tpu.memory_space<hbm>>
      %dma_wait3A_921 = tpu.memref_slice %arg2[%mul3A_2] : memref<16384xf32, #tpu.memory_space<hbm>> -> memref<512xf32, #tpu.memory_space<hbm>>
      tpu.wait_dma2 semaphore(%run_scoped3A : memref<!tpu.dma_semaphore, #tpu.memory_space<semaphore_mem>>) src(%dma_wait3A_921 : memref<512xf32, #tpu.memory_space<hbm>>) dst(%arg5 : memref<512xf32, #tpu.memory_space<vmem>>)
      tpu.yield
    }) : () -> ()
    %get3A = arith.constant 0 : index
    %get3A_3 = tpu.vector_load %arg5[%get3A] {strides = array<i32>} : memref<512xf32, #tpu.memory_space<vmem>>, vector<16xf32>,
    %get3A_4 = vector.shape_cast %get3A_3 : vector<16xf32> to vector<16xf32>
    %sub3A = arith.constant -5.000000e+05 : f32
    %sub3A_5 = vector.broadcast %sub3A : f32 to vector<16xf32>
    %sub3A_6 = arith.subf %get3A_4, %sub3A_5 : vector<16xf32>
    %max3A = arith.constant 0.000000e+00 : f32
    %max3A_7 = vector.broadcast %max3A : f32 to vector<16xf32>
    %max3A_8 = arith.maximumf %sub3A_6, %max3A_7 : vector<16xf32>
    %min3A = arith.constant 1.000000e+06 : f32
    %min3A_9 = vector.broadcast %min3A : f32 to vector<16xf32>
    %min3A_10 = arith.minimumf %max3A_8, %min3A_9 : vector<16xf32>
    %add3A_11 = arith.constant 0x4B000000 : f32
    %add3A_12 = vector.broadcast %add3A_11 : f32 to vector<16xf32>
    %add3A_13 = arith.addf %min3A_10, %add3A_12 : vector<16xf32>
    %sub3A_14 = arith.constant 0x4B000000 : f32
    %sub3A_15 = vector.broadcast %sub3A_14 : f32 to vector<16xf32>
    %sub3A_16 = arith.subf %add3A_13, %sub3A_15 : vector<16xf32>
    %convert_element_type3A = arith.fptosi %sub3A_16 : vector<16xf32> to vector<16xi32>
    %swap3A = arith.constant 0 : i32
    %swap3A_17 = arith.index_cast %swap3A : i32 to index
    %swap3A_18 = arith.constant 0 : index
    %swap3A_19 = tpu.vector_load %arg6[%swap3A_17, %swap3A_18] {strides = array<i32>} : memref<4x128xi32, #tpu.memory_space<vmem>>, vector<1x16xi32>,
    %swap3A_20 = vector.shape_cast %swap3A_19 : vector<1x16xi32> to vector<16xi32>
    %swap3A_21 = vector.shape_cast %convert_element_type3A : vector<16xi32> to vector<1x16xi32>
    tpu.vector_store %arg6[%swap3A_17, %swap3A_18], %swap3A_21 {strides = array<i32>} : memref<4x128xi32, #tpu.memory_space<vmem>>, vector<1x16xi32>,
    %get3A_22 = arith.constant 16 : index
    %get3A_23 = tpu.vector_load %arg5[%get3A_22] {strides = array<i32>} : memref<512xf32, #tpu.memory_space<vmem>>, vector<16xf32>,
    %get3A_24 = vector.shape_cast %get3A_23 : vector<16xf32> to vector<16xf32>
    %sub3A_25 = arith.constant -5.000000e+05 : f32
    %sub3A_26 = vector.broadcast %sub3A_25 : f32 to vector<16xf32>
    %sub3A_27 = arith.subf %get3A_24, %sub3A_26 : vector<16xf32>
    %max3A_28 = arith.constant 0.000000e+00 : f32
    %max3A_29 = vector.broadcast %max3A_28 : f32 to vector<16xf32>
    %max3A_30 = arith.maximumf %sub3A_27, %max3A_29 : vector<16xf32>
    %min3A_31 = arith.constant 1.000000e+06 : f32
    %min3A_32 = vector.broadcast %min3A_31 : f32 to vector<16xf32>
    %min3A_33 = arith.minimumf %max3A_30, %min3A_32 : vector<16xf32>
    %add3A_34 = arith.constant 0x4B000000 : f32
    %add3A_35 = vector.broadcast %add3A_34 : f32 to vector<16xf32>
    %add3A_36 = arith.addf %min3A_33, %add3A_35 : vector<16xf32>
    %sub3A_37 = arith.constant 0x4B000000 : f32
    %sub3A_38 = vector.broadcast %sub3A_37 : f32 to vector<16xf32>
    %sub3A_39 = arith.subf %add3A_36, %sub3A_38 : vector<16xf32>
    %convert_element_type3A_40 = arith.fptosi %sub3A_39 : vector<16xf32> to vector<16xi32>
    %swap3A_41 = arith.constant 0 : i32
    %swap3A_42 = arith.index_cast %swap3A_41 : i32 to index
    %swap3A_43 = arith.constant 16 : index
    %swap3A_44 = tpu.vector_load %arg6[%swap3A_42, %swap3A_43] {strides = array<i32>} : memref<4x128xi32, #tpu.memory_space<vmem>>, vector<1x16xi32>,
    %swap3A_45 = vector.shape_cast %swap3A_44 : vector<1x16xi32> to vector<16xi32>
    %swap3A_46 = vector.shape_cast %convert_element_type3A_40 : vector<16xi32> to vector<1x16xi32>
    tpu.vector_store %arg6[%swap3A_42, %swap3A_43], %swap3A_46 {strides = array<i32>} : memref<4x128xi32, #tpu.memory_space<vmem>>, vector<1x16xi32>,
    %get3A_47 = arith.constant 32 : index
    %get3A_48 = tpu.vector_load %arg5[%get3A_47] {strides = array<i32>} : memref<512xf32, #tpu.memory_space<vmem>>, vector<16xf32>,
    %get3A_49 = vector.shape_cast %get3A_48 : vector<16xf32> to vector<16xf32>
    %sub3A_50 = arith.constant -5.000000e+05 : f32
    %sub3A_51 = vector.broadcast %sub3A_50 : f32 to vector<16xf32>
    %sub3A_52 = arith.subf %get3A_49, %sub3A_51 : vector<16xf32>
    %max3A_53 = arith.constant 0.000000e+00 : f32
    %max3A_54 = vector.broadcast %max3A_53 : f32 to vector<16xf32>
    %max3A_55 = arith.maximumf %sub3A_52, %max3A_54 : vector<16xf32>
    %min3A_56 = arith.constant 1.000000e+06 : f32
    %min3A_57 = vector.broadcast %min3A_56 : f32 to vector<16xf32>
    %min3A_58 = arith.minimumf %max3A_55, %min3A_57 : vector<16xf32>
    %add3A_59 = arith.constant 0x4B000000 : f32
    %add3A_60 = vector.broadcast %add3A_59 : f32 to vector<16xf32>
    %add3A_61 = arith.addf %min3A_58, %add3A_60 : vector<16xf32>
    %sub3A_62 = arith.constant 0x4B000000 : f32
    %sub3A_63 = vector.broadcast %sub3A_62 : f32 to vector<16xf32>
    %sub3A_64 = arith.subf %add3A_61, %sub3A_63 : vector<16xf32>
    %convert_element_type3A_65 = arith.fptosi %sub3A_64 : vector<16xf32> to vector<16xi32>
    %swap3A_66 = arith.constant 0 : i32
    %swap3A_67 = arith.index_cast %swap3A_66 : i32 to index
    %swap3A_68 = arith.constant 32 : index
    %swap3A_69 = tpu.vector_load %arg6[%swap3A_67, %swap3A_68] {strides = array<i32>} : memref<4x128xi32, #tpu.memory_space<vmem>>, vector<1x16xi32>,
    %swap3A_70 = vector.shape_cast %swap3A_69 : vector<1x16xi32> to vector<16xi32>
    %swap3A_71 = vector.shape_cast %convert_element_type3A_65 : vector<16xi32> to vector<1x16xi32>
    tpu.vector_store %arg6[%swap3A_67, %swap3A_68], %swap3A_71 {strides = array<i32>} : memref<4x128xi32, #tpu.memory_space<vmem>>, vector<1x16xi32>,
    %get3A_72 = arith.constant 48 : index
    %get3A_73 = tpu.vector_load %arg5[%get3A_72] {strides = array<i32>} : memref<512xf32, #tpu.memory_space<vmem>>, vector<16xf32>,
    %get3A_74 = vector.shape_cast %get3A_73 : vector<16xf32> to vector<16xf32>
    %sub3A_75 = arith.constant -5.000000e+05 : f32
    %sub3A_76 = vector.broadcast %sub3A_75 : f32 to vector<16xf32>
    %sub3A_77 = arith.subf %get3A_74, %sub3A_76 : vector<16xf32>
    %max3A_78 = arith.constant 0.000000e+00 : f32
    %max3A_79 = vector.broadcast %max3A_78 : f32 to vector<16xf32>
    %max3A_80 = arith.maximumf %sub3A_77, %max3A_79 : vector<16xf32>
    %min3A_81 = arith.constant 1.000000e+06 : f32
    %min3A_82 = vector.broadcast %min3A_81 : f32 to vector<16xf32>
    %min3A_83 = arith.minimumf %max3A_80, %min3A_82 : vector<16xf32>
    %add3A_84 = arith.constant 0x4B000000 : f32
    %add3A_85 = vector.broadcast %add3A_84 : f32 to vector<16xf32>
    %add3A_86 = arith.addf %min3A_83, %add3A_85 : vector<16xf32>
    %sub3A_87 = arith.constant 0x4B000000 : f32
    %sub3A_88 = vector.broadcast %sub3A_87 : f32 to vector<16xf32>
    %sub3A_89 = arith.subf %add3A_86, %sub3A_88 : vector<16xf32>
    %convert_element_type3A_90 = arith.fptosi %sub3A_89 : vector<16xf32> to vector<16xi32>
    %swap3A_91 = arith.constant 0 : i32
    %swap3A_92 = arith.index_cast %swap3A_91 : i32 to index
    %swap3A_93 = arith.constant 48 : index
    %swap3A_94 = tpu.vector_load %arg6[%swap3A_92, %swap3A_93] {strides = array<i32>} : memref<4x128xi32, #tpu.memory_space<vmem>>, vector<1x16xi32>,
    %swap3A_95 = vector.shape_cast %swap3A_94 : vector<1x16xi32> to vector<16xi32>
    %swap3A_96 = vector.shape_cast %convert_element_type3A_90 : vector<16xi32> to vector<1x16xi32>
    tpu.vector_store %arg6[%swap3A_92, %swap3A_93], %swap3A_96 {strides = array<i32>} : memref<4x128xi32, #tpu.memory_space<vmem>>, vector<1x16xi32>,
    %get3A_97 = arith.constant 64 : index
    %get3A_98 = tpu.vector_load %arg5[%get3A_97] {strides = array<i32>} : memref<512xf32, #tpu.memory_space<vmem>>, vector<16xf32>,
    %get3A_99 = vector.shape_cast %get3A_98 : vector<16xf32> to vector<16xf32>
    %sub3A_100 = arith.constant -5.000000e+05 : f32
    %sub3A_101 = vector.broadcast %sub3A_100 : f32 to vector<16xf32>
    %sub3A_102 = arith.subf %get3A_99, %sub3A_101 : vector<16xf32>
    %max3A_103 = arith.constant 0.000000e+00 : f32
    %max3A_104 = vector.broadcast %max3A_103 : f32 to vector<16xf32>
    %max3A_105 = arith.maximumf %sub3A_102, %max3A_104 : vector<16xf32>
    %min3A_106 = arith.constant 1.000000e+06 : f32
    %min3A_107 = vector.broadcast %min3A_106 : f32 to vector<16xf32>
    %min3A_108 = arith.minimumf %max3A_105, %min3A_107 : vector<16xf32>
    %add3A_109 = arith.constant 0x4B000000 : f32
    %add3A_110 = vector.broadcast %add3A_109 : f32 to vector<16xf32>
    %add3A_111 = arith.addf %min3A_108, %add3A_110 : vector<16xf32>
    %sub3A_112 = arith.constant 0x4B000000 : f32
    %sub3A_113 = vector.broadcast %sub3A_112 : f32 to vector<16xf32>
    %sub3A_114 = arith.subf %add3A_111, %sub3A_113 : vector<16xf32>
    %convert_element_type3A_115 = arith.fptosi %sub3A_114 : vector<16xf32> to vector<16xi32>
    %swap3A_116 = arith.constant 0 : i32
    %swap3A_117 = arith.index_cast %swap3A_116 : i32 to index
    %swap3A_118 = arith.constant 64 : index
    %swap3A_119 = tpu.vector_load %arg6[%swap3A_117, %swap3A_118] {strides = array<i32>} : memref<4x128xi32, #tpu.memory_space<vmem>>, vector<1x16xi32>,
    %swap3A_120 = vector.shape_cast %swap3A_119 : vector<1x16xi32> to vector<16xi32>
    %swap3A_121 = vector.shape_cast %convert_element_type3A_115 : vector<16xi32> to vector<1x16xi32>
    tpu.vector_store %arg6[%swap3A_117, %swap3A_118], %swap3A_121 {strides = array<i32>} : memref<4x128xi32, #tpu.memory_space<vmem>>, vector<1x16xi32>,
    %get3A_122 = arith.constant 80 : index
    %get3A_123 = tpu.vector_load %arg5[%get3A_122] {strides = array<i32>} : memref<512xf32, #tpu.memory_space<vmem>>, vector<16xf32>,
    %get3A_124 = vector.shape_cast %get3A_123 : vector<16xf32> to vector<16xf32>
    %sub3A_125 = arith.constant -5.000000e+05 : f32
    %sub3A_126 = vector.broadcast %sub3A_125 : f32 to vector<16xf32>
    %sub3A_127 = arith.subf %get3A_124, %sub3A_126 : vector<16xf32>
    %max3A_128 = arith.constant 0.000000e+00 : f32
    %max3A_129 = vector.broadcast %max3A_128 : f32 to vector<16xf32>
    %max3A_130 = arith.maximumf %sub3A_127, %max3A_129 : vector<16xf32>
    %min3A_131 = arith.constant 1.000000e+06 : f32
    %min3A_132 = vector.broadcast %min3A_131 : f32 to vector<16xf32>
    %min3A_133 = arith.minimumf %max3A_130, %min3A_132 : vector<16xf32>
    %add3A_134 = arith.constant 0x4B000000 : f32
    %add3A_135 = vector.broadcast %add3A_134 : f32 to vector<16xf32>
    %add3A_136 = arith.addf %min3A_133, %add3A_135 : vector<16xf32>
    %sub3A_137 = arith.constant 0x4B000000 : f32
    %sub3A_138 = vector.broadcast %sub3A_137 : f32 to vector<16xf32>
    %sub3A_139 = arith.subf %add3A_136, %sub3A_138 : vector<16xf32>
    %convert_element_type3A_140 = arith.fptosi %sub3A_139 : vector<16xf32> to vector<16xi32>
    %swap3A_141 = arith.constant 0 : i32
    %swap3A_142 = arith.index_cast %swap3A_141 : i32 to index
    %swap3A_143 = arith.constant 80 : index
    %swap3A_144 = tpu.vector_load %arg6[%swap3A_142, %swap3A_143] {strides = array<i32>} : memref<4x128xi32, #tpu.memory_space<vmem>>, vector<1x16xi32>,
    %swap3A_145 = vector.shape_cast %swap3A_144 : vector<1x16xi32> to vector<16xi32>
    %swap3A_146 = vector.shape_cast %convert_element_type3A_140 : vector<16xi32> to vector<1x16xi32>
    tpu.vector_store %arg6[%swap3A_142, %swap3A_143], %swap3A_146 {strides = array<i32>} : memref<4x128xi32, #tpu.memory_space<vmem>>, vector<1x16xi32>,
    %get3A_147 = arith.constant 96 : index
    %get3A_148 = tpu.vector_load %arg5[%get3A_147] {strides = array<i32>} : memref<512xf32, #tpu.memory_space<vmem>>, vector<16xf32>,
    %get3A_149 = vector.shape_cast %get3A_148 : vector<16xf32> to vector<16xf32>
    %sub3A_150 = arith.constant -5.000000e+05 : f32
    %sub3A_151 = vector.broadcast %sub3A_150 : f32 to vector<16xf32>
    %sub3A_152 = arith.subf %get3A_149, %sub3A_151 : vector<16xf32>
    %max3A_153 = arith.constant 0.000000e+00 : f32
    %max3A_154 = vector.broadcast %max3A_153 : f32 to vector<16xf32>
    %max3A_155 = arith.maximumf %sub3A_152, %max3A_154 : vector<16xf32>
    %min3A_156 = arith.constant 1.000000e+06 : f32
    %min3A_157 = vector.broadcast %min3A_156 : f32 to vector<16xf32>
    %min3A_158 = arith.minimumf %max3A_155, %min3A_157 : vector<16xf32>
    %add3A_159 = arith.constant 0x4B000000 : f32
    %add3A_160 = vector.broadcast %add3A_159 : f32 to vector<16xf32>
    %add3A_161 = arith.addf %min3A_158, %add3A_160 : vector<16xf32>
    %sub3A_162 = arith.constant 0x4B000000 : f32
    %sub3A_163 = vector.broadcast %sub3A_162 : f32 to vector<16xf32>
    %sub3A_164 = arith.subf %add3A_161, %sub3A_163 : vector<16xf32>
    %convert_element_type3A_165 = arith.fptosi %sub3A_164 : vector<16xf32> to vector<16xi32>
    %swap3A_166 = arith.constant 0 : i32
    %swap3A_167 = arith.index_cast %swap3A_166 : i32 to index
    %swap3A_168 = arith.constant 96 : index
    %swap3A_169 = tpu.vector_load %arg6[%swap3A_167, %swap3A_168] {strides = array<i32>} : memref<4x128xi32, #tpu.memory_space<vmem>>, vector<1x16xi32>,
    %swap3A_170 = vector.shape_cast %swap3A_169 : vector<1x16xi32> to vector<16xi32>
    %swap3A_171 = vector.shape_cast %convert_element_type3A_165 : vector<16xi32> to vector<1x16xi32>
    tpu.vector_store %arg6[%swap3A_167, %swap3A_168], %swap3A_171 {strides = array<i32>} : memref<4x128xi32, #tpu.memory_space<vmem>>, vector<1x16xi32>,
    %get3A_172 = arith.constant 112 : index
    %get3A_173 = tpu.vector_load %arg5[%get3A_172] {strides = array<i32>} : memref<512xf32, #tpu.memory_space<vmem>>, vector<16xf32>,
    %get3A_174 = vector.shape_cast %get3A_173 : vector<16xf32> to vector<16xf32>
    %sub3A_175 = arith.constant -5.000000e+05 : f32
    %sub3A_176 = vector.broadcast %sub3A_175 : f32 to vector<16xf32>
    %sub3A_177 = arith.subf %get3A_174, %sub3A_176 : vector<16xf32>
    %max3A_178 = arith.constant 0.000000e+00 : f32
    %max3A_179 = vector.broadcast %max3A_178 : f32 to vector<16xf32>
    %max3A_180 = arith.maximumf %sub3A_177, %max3A_179 : vector<16xf32>
    %min3A_181 = arith.constant 1.000000e+06 : f32
    %min3A_182 = vector.broadcast %min3A_181 : f32 to vector<16xf32>
    %min3A_183 = arith.minimumf %max3A_180, %min3A_182 : vector<16xf32>
    %add3A_184 = arith.constant 0x4B000000 : f32
    %add3A_185 = vector.broadcast %add3A_184 : f32 to vector<16xf32>
    %add3A_186 = arith.addf %min3A_183, %add3A_185 : vector<16xf32>
    %sub3A_187 = arith.constant 0x4B000000 : f32
    %sub3A_188 = vector.broadcast %sub3A_187 : f32 to vector<16xf32>
    %sub3A_189 = arith.subf %add3A_186, %sub3A_188 : vector<16xf32>
    %convert_element_type3A_190 = arith.fptosi %sub3A_189 : vector<16xf32> to vector<16xi32>
    %swap3A_191 = arith.constant 0 : i32
    %swap3A_192 = arith.index_cast %swap3A_191 : i32 to index
    %swap3A_193 = arith.constant 112 : index
    %swap3A_194 = tpu.vector_load %arg6[%swap3A_192, %swap3A_193] {strides = array<i32>} : memref<4x128xi32, #tpu.memory_space<vmem>>, vector<1x16xi32>,
    %swap3A_195 = vector.shape_cast %swap3A_194 : vector<1x16xi32> to vector<16xi32>
    %swap3A_196 = vector.shape_cast %convert_element_type3A_190 : vector<16xi32> to vector<1x16xi32>
    tpu.vector_store %arg6[%swap3A_192, %swap3A_193], %swap3A_196 {strides = array<i32>} : memref<4x128xi32, #tpu.memory_space<vmem>>, vector<1x16xi32>,
    %get3A_197 = arith.constant 128 : index
    %get3A_198 = tpu.vector_load %arg5[%get3A_197] {strides = array<i32>} : memref<512xf32, #tpu.memory_space<vmem>>, vector<16xf32>,
    %get3A_199 = vector.shape_cast %get3A_198 : vector<16xf32> to vector<16xf32>
    %sub3A_200 = arith.constant -5.000000e+05 : f32
    %sub3A_201 = vector.broadcast %sub3A_200 : f32 to vector<16xf32>
    %sub3A_202 = arith.subf %get3A_199, %sub3A_201 : vector<16xf32>
    %max3A_203 = arith.constant 0.000000e+00 : f32
    %max3A_204 = vector.broadcast %max3A_203 : f32 to vector<16xf32>
    %max3A_205 = arith.maximumf %sub3A_202, %max3A_204 : vector<16xf32>
    %min3A_206 = arith.constant 1.000000e+06 : f32
    %min3A_207 = vector.broadcast %min3A_206 : f32 to vector<16xf32>
    %min3A_208 = arith.minimumf %max3A_205, %min3A_207 : vector<16xf32>
    %add3A_209 = arith.constant 0x4B000000 : f32
    %add3A_210 = vector.broadcast %add3A_209 : f32 to vector<16xf32>
    %add3A_211 = arith.addf %min3A_208, %add3A_210 : vector<16xf32>
    %sub3A_212 = arith.constant 0x4B000000 : f32
    %sub3A_213 = vector.broadcast %sub3A_212 : f32 to vector<16xf32>
    %sub3A_214 = arith.subf %add3A_211, %sub3A_213 : vector<16xf32>
    %convert_element_type3A_215 = arith.fptosi %sub3A_214 : vector<16xf32> to vector<16xi32>
    %swap3A_216 = arith.constant 1 : i32
    %swap3A_217 = arith.index_cast %swap3A_216 : i32 to index
    %swap3A_218 = arith.constant 0 : index
    %swap3A_219 = tpu.vector_load %arg6[%swap3A_217, %swap3A_218] {strides = array<i32>} : memref<4x128xi32, #tpu.memory_space<vmem>>, vector<1x16xi32>,
    %swap3A_220 = vector.shape_cast %swap3A_219 : vector<1x16xi32> to vector<16xi32>
    %swap3A_221 = vector.shape_cast %convert_element_type3A_215 : vector<16xi32> to vector<1x16xi32>
    tpu.vector_store %arg6[%swap3A_217, %swap3A_218], %swap3A_221 {strides = array<i32>} : memref<4x128xi32, #tpu.memory_space<vmem>>, vector<1x16xi32>,
    %get3A_222 = arith.constant 144 : index
    %get3A_223 = tpu.vector_load %arg5[%get3A_222] {strides = array<i32>} : memref<512xf32, #tpu.memory_space<vmem>>, vector<16xf32>,
    %get3A_224 = vector.shape_cast %get3A_223 : vector<16xf32> to vector<16xf32>
    %sub3A_225 = arith.constant -5.000000e+05 : f32
    %sub3A_226 = vector.broadcast %sub3A_225 : f32 to vector<16xf32>
    %sub3A_227 = arith.subf %get3A_224, %sub3A_226 : vector<16xf32>
    %max3A_228 = arith.constant 0.000000e+00 : f32
    %max3A_229 = vector.broadcast %max3A_228 : f32 to vector<16xf32>
    %max3A_230 = arith.maximumf %sub3A_227, %max3A_229 : vector<16xf32>
    %min3A_231 = arith.constant 1.000000e+06 : f32
    %min3A_232 = vector.broadcast %min3A_231 : f32 to vector<16xf32>
    %min3A_233 = arith.minimumf %max3A_230, %min3A_232 : vector<16xf32>
    %add3A_234 = arith.constant 0x4B000000 : f32
    %add3A_235 = vector.broadcast %add3A_234 : f32 to vector<16xf32>
    %add3A_236 = arith.addf %min3A_233, %add3A_235 : vector<16xf32>
    %sub3A_237 = arith.constant 0x4B000000 : f32
    %sub3A_238 = vector.broadcast %sub3A_237 : f32 to vector<16xf32>
    %sub3A_239 = arith.subf %add3A_236, %sub3A_238 : vector<16xf32>
    %convert_element_type3A_240 = arith.fptosi %sub3A_239 : vector<16xf32> to vector<16xi32>
    %swap3A_241 = arith.constant 1 : i32
    %swap3A_242 = arith.index_cast %swap3A_241 : i32 to index
    %swap3A_243 = arith.constant 16 : index
    %swap3A_244 = tpu.vector_load %arg6[%swap3A_242, %swap3A_243] {strides = array<i32>} : memref<4x128xi32, #tpu.memory_space<vmem>>, vector<1x16xi32>,
    %swap3A_245 = vector.shape_cast %swap3A_244 : vector<1x16xi32> to vector<16xi32>
    %swap3A_246 = vector.shape_cast %convert_element_type3A_240 : vector<16xi32> to vector<1x16xi32>
    tpu.vector_store %arg6[%swap3A_242, %swap3A_243], %swap3A_246 {strides = array<i32>} : memref<4x128xi32, #tpu.memory_space<vmem>>, vector<1x16xi32>,
    %get3A_247 = arith.constant 160 : index
    %get3A_248 = tpu.vector_load %arg5[%get3A_247] {strides = array<i32>} : memref<512xf32, #tpu.memory_space<vmem>>, vector<16xf32>,
    %get3A_249 = vector.shape_cast %get3A_248 : vector<16xf32> to vector<16xf32>
    %sub3A_250 = arith.constant -5.000000e+05 : f32
    %sub3A_251 = vector.broadcast %sub3A_250 : f32 to vector<16xf32>
    %sub3A_252 = arith.subf %get3A_249, %sub3A_251 : vector<16xf32>
    %max3A_253 = arith.constant 0.000000e+00 : f32
    %max3A_254 = vector.broadcast %max3A_253 : f32 to vector<16xf32>
    %max3A_255 = arith.maximumf %sub3A_252, %max3A_254 : vector<16xf32>
    %min3A_256 = arith.constant 1.000000e+06 : f32
    %min3A_257 = vector.broadcast %min3A_256 : f32 to vector<16xf32>
    %min3A_258 = arith.minimumf %max3A_255, %min3A_257 : vector<16xf32>
    %add3A_259 = arith.constant 0x4B000000 : f32
    %add3A_260 = vector.broadcast %add3A_259 : f32 to vector<16xf32>
    %add3A_261 = arith.addf %min3A_258, %add3A_260 : vector<16xf32>
    %sub3A_262 = arith.constant 0x4B000000 : f32
    %sub3A_263 = vector.broadcast %sub3A_262 : f32 to vector<16xf32>
    %sub3A_264 = arith.subf %add3A_261, %sub3A_263 : vector<16xf32>
    %convert_element_type3A_265 = arith.fptosi %sub3A_264 : vector<16xf32> to vector<16xi32>
    %swap3A_266 = arith.constant 1 : i32
    %swap3A_267 = arith.index_cast %swap3A_266 : i32 to index
    %swap3A_268 = arith.constant 32 : index
    %swap3A_269 = tpu.vector_load %arg6[%swap3A_267, %swap3A_268] {strides = array<i32>} : memref<4x128xi32, #tpu.memory_space<vmem>>, vector<1x16xi32>,
    %swap3A_270 = vector.shape_cast %swap3A_269 : vector<1x16xi32> to vector<16xi32>
    %swap3A_271 = vector.shape_cast %convert_element_type3A_265 : vector<16xi32> to vector<1x16xi32>
    tpu.vector_store %arg6[%swap3A_267, %swap3A_268], %swap3A_271 {strides = array<i32>} : memref<4x128xi32, #tpu.memory_space<vmem>>, vector<1x16xi32>,
    %get3A_272 = arith.constant 176 : index
    %get3A_273 = tpu.vector_load %arg5[%get3A_272] {strides = array<i32>} : memref<512xf32, #tpu.memory_space<vmem>>, vector<16xf32>,
    %get3A_274 = vector.shape_cast %get3A_273 : vector<16xf32> to vector<16xf32>
    %sub3A_275 = arith.constant -5.000000e+05 : f32
    %sub3A_276 = vector.broadcast %sub3A_275 : f32 to vector<16xf32>
    %sub3A_277 = arith.subf %get3A_274, %sub3A_276 : vector<16xf32>
    %max3A_278 = arith.constant 0.000000e+00 : f32
    %max3A_279 = vector.broadcast %max3A_278 : f32 to vector<16xf32>
    %max3A_280 = arith.maximumf %sub3A_277, %max3A_279 : vector<16xf32>
    %min3A_281 = arith.constant 1.000000e+06 : f32
    %min3A_282 = vector.broadcast %min3A_281 : f32 to vector<16xf32>
    %min3A_283 = arith.minimumf %max3A_280, %min3A_282 : vector<16xf32>
    %add3A_284 = arith.constant 0x4B000000 : f32
    %add3A_285 = vector.broadcast %add3A_284 : f32 to vector<16xf32>
    %add3A_286 = arith.addf %min3A_283, %add3A_285 : vector<16xf32>
    %sub3A_287 = arith.constant 0x4B000000 : f32
    %sub3A_288 = vector.broadcast %sub3A_287 : f32 to vector<16xf32>
    %sub3A_289 = arith.subf %add3A_286, %sub3A_288 : vector<16xf32>
    %convert_element_type3A_290 = arith.fptosi %sub3A_289 : vector<16xf32> to vector<16xi32>
    %swap3A_291 = arith.constant 1 : i32
    %swap3A_292 = arith.index_cast %swap3A_291 : i32 to index
    %swap3A_293 = arith.constant 48 : index
    %swap3A_294 = tpu.vector_load %arg6[%swap3A_292, %swap3A_293] {strides = array<i32>} : memref<4x128xi32, #tpu.memory_space<vmem>>, vector<1x16xi32>,
    %swap3A_295 = vector.shape_cast %swap3A_294 : vector<1x16xi32> to vector<16xi32>
    %swap3A_296 = vector.shape_cast %convert_element_type3A_290 : vector<16xi32> to vector<1x16xi32>
    tpu.vector_store %arg6[%swap3A_292, %swap3A_293], %swap3A_296 {strides = array<i32>} : memref<4x128xi32, #tpu.memory_space<vmem>>, vector<1x16xi32>,
    %get3A_297 = arith.constant 192 : index
    %get3A_298 = tpu.vector_load %arg5[%get3A_297] {strides = array<i32>} : memref<512xf32, #tpu.memory_space<vmem>>, vector<16xf32>,
    %get3A_299 = vector.shape_cast %get3A_298 : vector<16xf32> to vector<16xf32>
    %sub3A_300 = arith.constant -5.000000e+05 : f32
    %sub3A_301 = vector.broadcast %sub3A_300 : f32 to vector<16xf32>
    %sub3A_302 = arith.subf %get3A_299, %sub3A_301 : vector<16xf32>
    %max3A_303 = arith.constant 0.000000e+00 : f32
    %max3A_304 = vector.broadcast %max3A_303 : f32 to vector<16xf32>
    %max3A_305 = arith.maximumf %sub3A_302, %max3A_304 : vector<16xf32>
    %min3A_306 = arith.constant 1.000000e+06 : f32
    %min3A_307 = vector.broadcast %min3A_306 : f32 to vector<16xf32>
    %min3A_308 = arith.minimumf %max3A_305, %min3A_307 : vector<16xf32>
    %add3A_309 = arith.constant 0x4B000000 : f32
    %add3A_310 = vector.broadcast %add3A_309 : f32 to vector<16xf32>
    %add3A_311 = arith.addf %min3A_308, %add3A_310 : vector<16xf32>
    %sub3A_312 = arith.constant 0x4B000000 : f32
    %sub3A_313 = vector.broadcast %sub3A_312 : f32 to vector<16xf32>
    %sub3A_314 = arith.subf %add3A_311, %sub3A_313 : vector<16xf32>
    %convert_element_type3A_315 = arith.fptosi %sub3A_314 : vector<16xf32> to vector<16xi32>
    %swap3A_316 = arith.constant 1 : i32
    %swap3A_317 = arith.index_cast %swap3A_316 : i32 to index
    %swap3A_318 = arith.constant 64 : index
    %swap3A_319 = tpu.vector_load %arg6[%swap3A_317, %swap3A_318] {strides = array<i32>} : memref<4x128xi32, #tpu.memory_space<vmem>>, vector<1x16xi32>,
    %swap3A_320 = vector.shape_cast %swap3A_319 : vector<1x16xi32> to vector<16xi32>
    %swap3A_321 = vector.shape_cast %convert_element_type3A_315 : vector<16xi32> to vector<1x16xi32>
    tpu.vector_store %arg6[%swap3A_317, %swap3A_318], %swap3A_321 {strides = array<i32>} : memref<4x128xi32, #tpu.memory_space<vmem>>, vector<1x16xi32>,
    %get3A_322 = arith.constant 208 : index
    %get3A_323 = tpu.vector_load %arg5[%get3A_322] {strides = array<i32>} : memref<512xf32, #tpu.memory_space<vmem>>, vector<16xf32>,
    %get3A_324 = vector.shape_cast %get3A_323 : vector<16xf32> to vector<16xf32>
    %sub3A_325 = arith.constant -5.000000e+05 : f32
    %sub3A_326 = vector.broadcast %sub3A_325 : f32 to vector<16xf32>
    %sub3A_327 = arith.subf %get3A_324, %sub3A_326 : vector<16xf32>
    %max3A_328 = arith.constant 0.000000e+00 : f32
    %max3A_329 = vector.broadcast %max3A_328 : f32 to vector<16xf32>
    %max3A_330 = arith.maximumf %sub3A_327, %max3A_329 : vector<16xf32>
    %min3A_331 = arith.constant 1.000000e+06 : f32
    %min3A_332 = vector.broadcast %min3A_331 : f32 to vector<16xf32>
    %min3A_333 = arith.minimumf %max3A_330, %min3A_332 : vector<16xf32>
    %add3A_334 = arith.constant 0x4B000000 : f32
    %add3A_335 = vector.broadcast %add3A_334 : f32 to vector<16xf32>
    %add3A_336 = arith.addf %min3A_333, %add3A_335 : vector<16xf32>
    %sub3A_337 = arith.constant 0x4B000000 : f32
    %sub3A_338 = vector.broadcast %sub3A_337 : f32 to vector<16xf32>
    %sub3A_339 = arith.subf %add3A_336, %sub3A_338 : vector<16xf32>
    %convert_element_type3A_340 = arith.fptosi %sub3A_339 : vector<16xf32> to vector<16xi32>
    %swap3A_341 = arith.constant 1 : i32
    %swap3A_342 = arith.index_cast %swap3A_341 : i32 to index
    %swap3A_343 = arith.constant 80 : index
    %swap3A_344 = tpu.vector_load %arg6[%swap3A_342, %swap3A_343] {strides = array<i32>} : memref<4x128xi32, #tpu.memory_space<vmem>>, vector<1x16xi32>,
    %swap3A_345 = vector.shape_cast %swap3A_344 : vector<1x16xi32> to vector<16xi32>
    %swap3A_346 = vector.shape_cast %convert_element_type3A_340 : vector<16xi32> to vector<1x16xi32>
    tpu.vector_store %arg6[%swap3A_342, %swap3A_343], %swap3A_346 {strides = array<i32>} : memref<4x128xi32, #tpu.memory_space<vmem>>, vector<1x16xi32>,
    %get3A_347 = arith.constant 224 : index
    %get3A_348 = tpu.vector_load %arg5[%get3A_347] {strides = array<i32>} : memref<512xf32, #tpu.memory_space<vmem>>, vector<16xf32>,
    %get3A_349 = vector.shape_cast %get3A_348 : vector<16xf32> to vector<16xf32>
    %sub3A_350 = arith.constant -5.000000e+05 : f32
    %sub3A_351 = vector.broadcast %sub3A_350 : f32 to vector<16xf32>
    %sub3A_352 = arith.subf %get3A_349, %sub3A_351 : vector<16xf32>
    %max3A_353 = arith.constant 0.000000e+00 : f32
    %max3A_354 = vector.broadcast %max3A_353 : f32 to vector<16xf32>
    %max3A_355 = arith.maximumf %sub3A_352, %max3A_354 : vector<16xf32>
    %min3A_356 = arith.constant 1.000000e+06 : f32
    %min3A_357 = vector.broadcast %min3A_356 : f32 to vector<16xf32>
    %min3A_358 = arith.minimumf %max3A_355, %min3A_357 : vector<16xf32>
    %add3A_359 = arith.constant 0x4B000000 : f32
    %add3A_360 = vector.broadcast %add3A_359 : f32 to vector<16xf32>
    %add3A_361 = arith.addf %min3A_358, %add3A_360 : vector<16xf32>
    %sub3A_362 = arith.constant 0x4B000000 : f32
    %sub3A_363 = vector.broadcast %sub3A_362 : f32 to vector<16xf32>
    %sub3A_364 = arith.subf %add3A_361, %sub3A_363 : vector<16xf32>
    %convert_element_type3A_365 = arith.fptosi %sub3A_364 : vector<16xf32> to vector<16xi32>
    %swap3A_366 = arith.constant 1 : i32
    %swap3A_367 = arith.index_cast %swap3A_366 : i32 to index
    %swap3A_368 = arith.constant 96 : index
    %swap3A_369 = tpu.vector_load %arg6[%swap3A_367, %swap3A_368] {strides = array<i32>} : memref<4x128xi32, #tpu.memory_space<vmem>>, vector<1x16xi32>,
    %swap3A_370 = vector.shape_cast %swap3A_369 : vector<1x16xi32> to vector<16xi32>
    %swap3A_371 = vector.shape_cast %convert_element_type3A_365 : vector<16xi32> to vector<1x16xi32>
    tpu.vector_store %arg6[%swap3A_367, %swap3A_368], %swap3A_371 {strides = array<i32>} : memref<4x128xi32, #tpu.memory_space<vmem>>, vector<1x16xi32>,
    %get3A_372 = arith.constant 240 : index
    %get3A_373 = tpu.vector_load %arg5[%get3A_372] {strides = array<i32>} : memref<512xf32, #tpu.memory_space<vmem>>, vector<16xf32>,
    %get3A_374 = vector.shape_cast %get3A_373 : vector<16xf32> to vector<16xf32>
    %sub3A_375 = arith.constant -5.000000e+05 : f32
    %sub3A_376 = vector.broadcast %sub3A_375 : f32 to vector<16xf32>
    %sub3A_377 = arith.subf %get3A_374, %sub3A_376 : vector<16xf32>
    %max3A_378 = arith.constant 0.000000e+00 : f32
    %max3A_379 = vector.broadcast %max3A_378 : f32 to vector<16xf32>
    %max3A_380 = arith.maximumf %sub3A_377, %max3A_379 : vector<16xf32>
    %min3A_381 = arith.constant 1.000000e+06 : f32
    %min3A_382 = vector.broadcast %min3A_381 : f32 to vector<16xf32>
    %min3A_383 = arith.minimumf %max3A_380, %min3A_382 : vector<16xf32>
    %add3A_384 = arith.constant 0x4B000000 : f32
    %add3A_385 = vector.broadcast %add3A_384 : f32 to vector<16xf32>
    %add3A_386 = arith.addf %min3A_383, %add3A_385 : vector<16xf32>
    %sub3A_387 = arith.constant 0x4B000000 : f32
    %sub3A_388 = vector.broadcast %sub3A_387 : f32 to vector<16xf32>
    %sub3A_389 = arith.subf %add3A_386, %sub3A_388 : vector<16xf32>
    %convert_element_type3A_390 = arith.fptosi %sub3A_389 : vector<16xf32> to vector<16xi32>
    %swap3A_391 = arith.constant 1 : i32
    %swap3A_392 = arith.index_cast %swap3A_391 : i32 to index
    %swap3A_393 = arith.constant 112 : index
    %swap3A_394 = tpu.vector_load %arg6[%swap3A_392, %swap3A_393] {strides = array<i32>} : memref<4x128xi32, #tpu.memory_space<vmem>>, vector<1x16xi32>,
    %swap3A_395 = vector.shape_cast %swap3A_394 : vector<1x16xi32> to vector<16xi32>
    %swap3A_396 = vector.shape_cast %convert_element_type3A_390 : vector<16xi32> to vector<1x16xi32>
    tpu.vector_store %arg6[%swap3A_392, %swap3A_393], %swap3A_396 {strides = array<i32>} : memref<4x128xi32, #tpu.memory_space<vmem>>, vector<1x16xi32>,
    %get3A_397 = arith.constant 256 : index
    %get3A_398 = tpu.vector_load %arg5[%get3A_397] {strides = array<i32>} : memref<512xf32, #tpu.memory_space<vmem>>, vector<16xf32>,
    %get3A_399 = vector.shape_cast %get3A_398 : vector<16xf32> to vector<16xf32>
    %sub3A_400 = arith.constant -5.000000e+05 : f32
    %sub3A_401 = vector.broadcast %sub3A_400 : f32 to vector<16xf32>
    %sub3A_402 = arith.subf %get3A_399, %sub3A_401 : vector<16xf32>
    %max3A_403 = arith.constant 0.000000e+00 : f32
    %max3A_404 = vector.broadcast %max3A_403 : f32 to vector<16xf32>
    %max3A_405 = arith.maximumf %sub3A_402, %max3A_404 : vector<16xf32>
    %min3A_406 = arith.constant 1.000000e+06 : f32
    %min3A_407 = vector.broadcast %min3A_406 : f32 to vector<16xf32>
    %min3A_408 = arith.minimumf %max3A_405, %min3A_407 : vector<16xf32>
    %add3A_409 = arith.constant 0x4B000000 : f32
    %add3A_410 = vector.broadcast %add3A_409 : f32 to vector<16xf32>
    %add3A_411 = arith.addf %min3A_408, %add3A_410 : vector<16xf32>
    %sub3A_412 = arith.constant 0x4B000000 : f32
    %sub3A_413 = vector.broadcast %sub3A_412 : f32 to vector<16xf32>
    %sub3A_414 = arith.subf %add3A_411, %sub3A_413 : vector<16xf32>
    %convert_element_type3A_415 = arith.fptosi %sub3A_414 : vector<16xf32> to vector<16xi32>
    %swap3A_416 = arith.constant 2 : i32
    %swap3A_417 = arith.index_cast %swap3A_416 : i32 to index
    %swap3A_418 = arith.constant 0 : index
    %swap3A_419 = tpu.vector_load %arg6[%swap3A_417, %swap3A_418] {strides = array<i32>} : memref<4x128xi32, #tpu.memory_space<vmem>>, vector<1x16xi32>,
    %swap3A_420 = vector.shape_cast %swap3A_419 : vector<1x16xi32> to vector<16xi32>
    %swap3A_421 = vector.shape_cast %convert_element_type3A_415 : vector<16xi32> to vector<1x16xi32>
    tpu.vector_store %arg6[%swap3A_417, %swap3A_418], %swap3A_421 {strides = array<i32>} : memref<4x128xi32, #tpu.memory_space<vmem>>, vector<1x16xi32>,
    %get3A_422 = arith.constant 272 : index
    %get3A_423 = tpu.vector_load %arg5[%get3A_422] {strides = array<i32>} : memref<512xf32, #tpu.memory_space<vmem>>, vector<16xf32>,
    %get3A_424 = vector.shape_cast %get3A_423 : vector<16xf32> to vector<16xf32>
    %sub3A_425 = arith.constant -5.000000e+05 : f32
    %sub3A_426 = vector.broadcast %sub3A_425 : f32 to vector<16xf32>
    %sub3A_427 = arith.subf %get3A_424, %sub3A_426 : vector<16xf32>
    %max3A_428 = arith.constant 0.000000e+00 : f32
    %max3A_429 = vector.broadcast %max3A_428 : f32 to vector<16xf32>
    %max3A_430 = arith.maximumf %sub3A_427, %max3A_429 : vector<16xf32>
    %min3A_431 = arith.constant 1.000000e+06 : f32
    %min3A_432 = vector.broadcast %min3A_431 : f32 to vector<16xf32>
    %min3A_433 = arith.minimumf %max3A_430, %min3A_432 : vector<16xf32>
    %add3A_434 = arith.constant 0x4B000000 : f32
    %add3A_435 = vector.broadcast %add3A_434 : f32 to vector<16xf32>
    %add3A_436 = arith.addf %min3A_433, %add3A_435 : vector<16xf32>
    %sub3A_437 = arith.constant 0x4B000000 : f32
    %sub3A_438 = vector.broadcast %sub3A_437 : f32 to vector<16xf32>
    %sub3A_439 = arith.subf %add3A_436, %sub3A_438 : vector<16xf32>
    %convert_element_type3A_440 = arith.fptosi %sub3A_439 : vector<16xf32> to vector<16xi32>
    %swap3A_441 = arith.constant 2 : i32
    %swap3A_442 = arith.index_cast %swap3A_441 : i32 to index
    %swap3A_443 = arith.constant 16 : index
    %swap3A_444 = tpu.vector_load %arg6[%swap3A_442, %swap3A_443] {strides = array<i32>} : memref<4x128xi32, #tpu.memory_space<vmem>>, vector<1x16xi32>,
    %swap3A_445 = vector.shape_cast %swap3A_444 : vector<1x16xi32> to vector<16xi32>
    %swap3A_446 = vector.shape_cast %convert_element_type3A_440 : vector<16xi32> to vector<1x16xi32>
    tpu.vector_store %arg6[%swap3A_442, %swap3A_443], %swap3A_446 {strides = array<i32>} : memref<4x128xi32, #tpu.memory_space<vmem>>, vector<1x16xi32>,
    %get3A_447 = arith.constant 288 : index
    %get3A_448 = tpu.vector_load %arg5[%get3A_447] {strides = array<i32>} : memref<512xf32, #tpu.memory_space<vmem>>, vector<16xf32>,
    %get3A_449 = vector.shape_cast %get3A_448 : vector<16xf32> to vector<16xf32>
    %sub3A_450 = arith.constant -5.000000e+05 : f32
    %sub3A_451 = vector.broadcast %sub3A_450 : f32 to vector<16xf32>
    %sub3A_452 = arith.subf %get3A_449, %sub3A_451 : vector<16xf32>
    %max3A_453 = arith.constant 0.000000e+00 : f32
    %max3A_454 = vector.broadcast %max3A_453 : f32 to vector<16xf32>
    %max3A_455 = arith.maximumf %sub3A_452, %max3A_454 : vector<16xf32>
    %min3A_456 = arith.constant 1.000000e+06 : f32
    %min3A_457 = vector.broadcast %min3A_456 : f32 to vector<16xf32>
    %min3A_458 = arith.minimumf %max3A_455, %min3A_457 : vector<16xf32>
    %add3A_459 = arith.constant 0x4B000000 : f32
    %add3A_460 = vector.broadcast %add3A_459 : f32 to vector<16xf32>
    %add3A_461 = arith.addf %min3A_458, %add3A_460 : vector<16xf32>
    %sub3A_462 = arith.constant 0x4B000000 : f32
    %sub3A_463 = vector.broadcast %sub3A_462 : f32 to vector<16xf32>
    %sub3A_464 = arith.subf %add3A_461, %sub3A_463 : vector<16xf32>
    %convert_element_type3A_465 = arith.fptosi %sub3A_464 : vector<16xf32> to vector<16xi32>
    %swap3A_466 = arith.constant 2 : i32
    %swap3A_467 = arith.index_cast %swap3A_466 : i32 to index
    %swap3A_468 = arith.constant 32 : index
    %swap3A_469 = tpu.vector_load %arg6[%swap3A_467, %swap3A_468] {strides = array<i32>} : memref<4x128xi32, #tpu.memory_space<vmem>>, vector<1x16xi32>,
    %swap3A_470 = vector.shape_cast %swap3A_469 : vector<1x16xi32> to vector<16xi32>
    %swap3A_471 = vector.shape_cast %convert_element_type3A_465 : vector<16xi32> to vector<1x16xi32>
    tpu.vector_store %arg6[%swap3A_467, %swap3A_468], %swap3A_471 {strides = array<i32>} : memref<4x128xi32, #tpu.memory_space<vmem>>, vector<1x16xi32>,
    %get3A_472 = arith.constant 304 : index
    %get3A_473 = tpu.vector_load %arg5[%get3A_472] {strides = array<i32>} : memref<512xf32, #tpu.memory_space<vmem>>, vector<16xf32>,
    %get3A_474 = vector.shape_cast %get3A_473 : vector<16xf32> to vector<16xf32>
    %sub3A_475 = arith.constant -5.000000e+05 : f32
    %sub3A_476 = vector.broadcast %sub3A_475 : f32 to vector<16xf32>
    %sub3A_477 = arith.subf %get3A_474, %sub3A_476 : vector<16xf32>
    %max3A_478 = arith.constant 0.000000e+00 : f32
    %max3A_479 = vector.broadcast %max3A_478 : f32 to vector<16xf32>
    %max3A_480 = arith.maximumf %sub3A_477, %max3A_479 : vector<16xf32>
    %min3A_481 = arith.constant 1.000000e+06 : f32
    %min3A_482 = vector.broadcast %min3A_481 : f32 to vector<16xf32>
    %min3A_483 = arith.minimumf %max3A_480, %min3A_482 : vector<16xf32>
    %add3A_484 = arith.constant 0x4B000000 : f32
    %add3A_485 = vector.broadcast %add3A_484 : f32 to vector<16xf32>
    %add3A_486 = arith.addf %min3A_483, %add3A_485 : vector<16xf32>
    %sub3A_487 = arith.constant 0x4B000000 : f32
    %sub3A_488 = vector.broadcast %sub3A_487 : f32 to vector<16xf32>
    %sub3A_489 = arith.subf %add3A_486, %sub3A_488 : vector<16xf32>
    %convert_element_type3A_490 = arith.fptosi %sub3A_489 : vector<16xf32> to vector<16xi32>
    %swap3A_491 = arith.constant 2 : i32
    %swap3A_492 = arith.index_cast %swap3A_491 : i32 to index
    %swap3A_493 = arith.constant 48 : index
    %swap3A_494 = tpu.vector_load %arg6[%swap3A_492, %swap3A_493] {strides = array<i32>} : memref<4x128xi32, #tpu.memory_space<vmem>>, vector<1x16xi32>,
    %swap3A_495 = vector.shape_cast %swap3A_494 : vector<1x16xi32> to vector<16xi32>
    %swap3A_496 = vector.shape_cast %convert_element_type3A_490 : vector<16xi32> to vector<1x16xi32>
    tpu.vector_store %arg6[%swap3A_492, %swap3A_493], %swap3A_496 {strides = array<i32>} : memref<4x128xi32, #tpu.memory_space<vmem>>, vector<1x16xi32>,
    %get3A_497 = arith.constant 320 : index
    %get3A_498 = tpu.vector_load %arg5[%get3A_497] {strides = array<i32>} : memref<512xf32, #tpu.memory_space<vmem>>, vector<16xf32>,
    %get3A_499 = vector.shape_cast %get3A_498 : vector<16xf32> to vector<16xf32>
    %sub3A_500 = arith.constant -5.000000e+05 : f32
    %sub3A_501 = vector.broadcast %sub3A_500 : f32 to vector<16xf32>
    %sub3A_502 = arith.subf %get3A_499, %sub3A_501 : vector<16xf32>
    %max3A_503 = arith.constant 0.000000e+00 : f32
    %max3A_504 = vector.broadcast %max3A_503 : f32 to vector<16xf32>
    %max3A_505 = arith.maximumf %sub3A_502, %max3A_504 : vector<16xf32>
    %min3A_506 = arith.constant 1.000000e+06 : f32
    %min3A_507 = vector.broadcast %min3A_506 : f32 to vector<16xf32>
    %min3A_508 = arith.minimumf %max3A_505, %min3A_507 : vector<16xf32>
    %add3A_509 = arith.constant 0x4B000000 : f32
    %add3A_510 = vector.broadcast %add3A_509 : f32 to vector<16xf32>
    %add3A_511 = arith.addf %min3A_508, %add3A_510 : vector<16xf32>
    %sub3A_512 = arith.constant 0x4B000000 : f32
    %sub3A_513 = vector.broadcast %sub3A_512 : f32 to vector<16xf32>
    %sub3A_514 = arith.subf %add3A_511, %sub3A_513 : vector<16xf32>
    %convert_element_type3A_515 = arith.fptosi %sub3A_514 : vector<16xf32> to vector<16xi32>
    %swap3A_516 = arith.constant 2 : i32
    %swap3A_517 = arith.index_cast %swap3A_516 : i32 to index
    %swap3A_518 = arith.constant 64 : index
    %swap3A_519 = tpu.vector_load %arg6[%swap3A_517, %swap3A_518] {strides = array<i32>} : memref<4x128xi32, #tpu.memory_space<vmem>>, vector<1x16xi32>,
    %swap3A_520 = vector.shape_cast %swap3A_519 : vector<1x16xi32> to vector<16xi32>
    %swap3A_521 = vector.shape_cast %convert_element_type3A_515 : vector<16xi32> to vector<1x16xi32>
    tpu.vector_store %arg6[%swap3A_517, %swap3A_518], %swap3A_521 {strides = array<i32>} : memref<4x128xi32, #tpu.memory_space<vmem>>, vector<1x16xi32>,
    %get3A_522 = arith.constant 336 : index
    %get3A_523 = tpu.vector_load %arg5[%get3A_522] {strides = array<i32>} : memref<512xf32, #tpu.memory_space<vmem>>, vector<16xf32>,
    %get3A_524 = vector.shape_cast %get3A_523 : vector<16xf32> to vector<16xf32>
    %sub3A_525 = arith.constant -5.000000e+05 : f32
    %sub3A_526 = vector.broadcast %sub3A_525 : f32 to vector<16xf32>
    %sub3A_527 = arith.subf %get3A_524, %sub3A_526 : vector<16xf32>
    %max3A_528 = arith.constant 0.000000e+00 : f32
    %max3A_529 = vector.broadcast %max3A_528 : f32 to vector<16xf32>
    %max3A_530 = arith.maximumf %sub3A_527, %max3A_529 : vector<16xf32>
    %min3A_531 = arith.constant 1.000000e+06 : f32
    %min3A_532 = vector.broadcast %min3A_531 : f32 to vector<16xf32>
    %min3A_533 = arith.minimumf %max3A_530, %min3A_532 : vector<16xf32>
    %add3A_534 = arith.constant 0x4B000000 : f32
    %add3A_535 = vector.broadcast %add3A_534 : f32 to vector<16xf32>
    %add3A_536 = arith.addf %min3A_533, %add3A_535 : vector<16xf32>
    %sub3A_537 = arith.constant 0x4B000000 : f32
    %sub3A_538 = vector.broadcast %sub3A_537 : f32 to vector<16xf32>
    %sub3A_539 = arith.subf %add3A_536, %sub3A_538 : vector<16xf32>
    %convert_element_type3A_540 = arith.fptosi %sub3A_539 : vector<16xf32> to vector<16xi32>
    %swap3A_541 = arith.constant 2 : i32
    %swap3A_542 = arith.index_cast %swap3A_541 : i32 to index
    %swap3A_543 = arith.constant 80 : index
    %swap3A_544 = tpu.vector_load %arg6[%swap3A_542, %swap3A_543] {strides = array<i32>} : memref<4x128xi32, #tpu.memory_space<vmem>>, vector<1x16xi32>,
    %swap3A_545 = vector.shape_cast %swap3A_544 : vector<1x16xi32> to vector<16xi32>
    %swap3A_546 = vector.shape_cast %convert_element_type3A_540 : vector<16xi32> to vector<1x16xi32>
    tpu.vector_store %arg6[%swap3A_542, %swap3A_543], %swap3A_546 {strides = array<i32>} : memref<4x128xi32, #tpu.memory_space<vmem>>, vector<1x16xi32>,
    %get3A_547 = arith.constant 352 : index
    %get3A_548 = tpu.vector_load %arg5[%get3A_547] {strides = array<i32>} : memref<512xf32, #tpu.memory_space<vmem>>, vector<16xf32>,
    %get3A_549 = vector.shape_cast %get3A_548 : vector<16xf32> to vector<16xf32>
    %sub3A_550 = arith.constant -5.000000e+05 : f32
    %sub3A_551 = vector.broadcast %sub3A_550 : f32 to vector<16xf32>
    %sub3A_552 = arith.subf %get3A_549, %sub3A_551 : vector<16xf32>
    %max3A_553 = arith.constant 0.000000e+00 : f32
    %max3A_554 = vector.broadcast %max3A_553 : f32 to vector<16xf32>
    %max3A_555 = arith.maximumf %sub3A_552, %max3A_554 : vector<16xf32>
    %min3A_556 = arith.constant 1.000000e+06 : f32
    %min3A_557 = vector.broadcast %min3A_556 : f32 to vector<16xf32>
    %min3A_558 = arith.minimumf %max3A_555, %min3A_557 : vector<16xf32>
    %add3A_559 = arith.constant 0x4B000000 : f32
    %add3A_560 = vector.broadcast %add3A_559 : f32 to vector<16xf32>
    %add3A_561 = arith.addf %min3A_558, %add3A_560 : vector<16xf32>
    %sub3A_562 = arith.constant 0x4B000000 : f32
    %sub3A_563 = vector.broadcast %sub3A_562 : f32 to vector<16xf32>
    %sub3A_564 = arith.subf %add3A_561, %sub3A_563 : vector<16xf32>
    %convert_element_type3A_565 = arith.fptosi %sub3A_564 : vector<16xf32> to vector<16xi32>
    %swap3A_566 = arith.constant 2 : i32
    %swap3A_567 = arith.index_cast %swap3A_566 : i32 to index
    %swap3A_568 = arith.constant 96 : index
    %swap3A_569 = tpu.vector_load %arg6[%swap3A_567, %swap3A_568] {strides = array<i32>} : memref<4x128xi32, #tpu.memory_space<vmem>>, vector<1x16xi32>,
    %swap3A_570 = vector.shape_cast %swap3A_569 : vector<1x16xi32> to vector<16xi32>
    %swap3A_571 = vector.shape_cast %convert_element_type3A_565 : vector<16xi32> to vector<1x16xi32>
    tpu.vector_store %arg6[%swap3A_567, %swap3A_568], %swap3A_571 {strides = array<i32>} : memref<4x128xi32, #tpu.memory_space<vmem>>, vector<1x16xi32>,
    %get3A_572 = arith.constant 368 : index
    %get3A_573 = tpu.vector_load %arg5[%get3A_572] {strides = array<i32>} : memref<512xf32, #tpu.memory_space<vmem>>, vector<16xf32>,
    %get3A_574 = vector.shape_cast %get3A_573 : vector<16xf32> to vector<16xf32>
    %sub3A_575 = arith.constant -5.000000e+05 : f32
    %sub3A_576 = vector.broadcast %sub3A_575 : f32 to vector<16xf32>
    %sub3A_577 = arith.subf %get3A_574, %sub3A_576 : vector<16xf32>
    %max3A_578 = arith.constant 0.000000e+00 : f32
    %max3A_579 = vector.broadcast %max3A_578 : f32 to vector<16xf32>
    %max3A_580 = arith.maximumf %sub3A_577, %max3A_579 : vector<16xf32>
    %min3A_581 = arith.constant 1.000000e+06 : f32
    %min3A_582 = vector.broadcast %min3A_581 : f32 to vector<16xf32>
    %min3A_583 = arith.minimumf %max3A_580, %min3A_582 : vector<16xf32>
    %add3A_584 = arith.constant 0x4B000000 : f32
    %add3A_585 = vector.broadcast %add3A_584 : f32 to vector<16xf32>
    %add3A_586 = arith.addf %min3A_583, %add3A_585 : vector<16xf32>
    %sub3A_587 = arith.constant 0x4B000000 : f32
    %sub3A_588 = vector.broadcast %sub3A_587 : f32 to vector<16xf32>
    %sub3A_589 = arith.subf %add3A_586, %sub3A_588 : vector<16xf32>
    %convert_element_type3A_590 = arith.fptosi %sub3A_589 : vector<16xf32> to vector<16xi32>
    %swap3A_591 = arith.constant 2 : i32
    %swap3A_592 = arith.index_cast %swap3A_591 : i32 to index
    %swap3A_593 = arith.constant 112 : index
    %swap3A_594 = tpu.vector_load %arg6[%swap3A_592, %swap3A_593] {strides = array<i32>} : memref<4x128xi32, #tpu.memory_space<vmem>>, vector<1x16xi32>,
    %swap3A_595 = vector.shape_cast %swap3A_594 : vector<1x16xi32> to vector<16xi32>
    %swap3A_596 = vector.shape_cast %convert_element_type3A_590 : vector<16xi32> to vector<1x16xi32>
    tpu.vector_store %arg6[%swap3A_592, %swap3A_593], %swap3A_596 {strides = array<i32>} : memref<4x128xi32, #tpu.memory_space<vmem>>, vector<1x16xi32>,
    %get3A_597 = arith.constant 384 : index
    %get3A_598 = tpu.vector_load %arg5[%get3A_597] {strides = array<i32>} : memref<512xf32, #tpu.memory_space<vmem>>, vector<16xf32>,
    %get3A_599 = vector.shape_cast %get3A_598 : vector<16xf32> to vector<16xf32>
    %sub3A_600 = arith.constant -5.000000e+05 : f32
    %sub3A_601 = vector.broadcast %sub3A_600 : f32 to vector<16xf32>
    %sub3A_602 = arith.subf %get3A_599, %sub3A_601 : vector<16xf32>
    %max3A_603 = arith.constant 0.000000e+00 : f32
    %max3A_604 = vector.broadcast %max3A_603 : f32 to vector<16xf32>
    %max3A_605 = arith.maximumf %sub3A_602, %max3A_604 : vector<16xf32>
    %min3A_606 = arith.constant 1.000000e+06 : f32
    %min3A_607 = vector.broadcast %min3A_606 : f32 to vector<16xf32>
    %min3A_608 = arith.minimumf %max3A_605, %min3A_607 : vector<16xf32>
    %add3A_609 = arith.constant 0x4B000000 : f32
    %add3A_610 = vector.broadcast %add3A_609 : f32 to vector<16xf32>
    %add3A_611 = arith.addf %min3A_608, %add3A_610 : vector<16xf32>
    %sub3A_612 = arith.constant 0x4B000000 : f32
    %sub3A_613 = vector.broadcast %sub3A_612 : f32 to vector<16xf32>
    %sub3A_614 = arith.subf %add3A_611, %sub3A_613 : vector<16xf32>
    %convert_element_type3A_615 = arith.fptosi %sub3A_614 : vector<16xf32> to vector<16xi32>
    %swap3A_616 = arith.constant 3 : i32
    %swap3A_617 = arith.index_cast %swap3A_616 : i32 to index
    %swap3A_618 = arith.constant 0 : index
    %swap3A_619 = tpu.vector_load %arg6[%swap3A_617, %swap3A_618] {strides = array<i32>} : memref<4x128xi32, #tpu.memory_space<vmem>>, vector<1x16xi32>,
    %swap3A_620 = vector.shape_cast %swap3A_619 : vector<1x16xi32> to vector<16xi32>
    %swap3A_621 = vector.shape_cast %convert_element_type3A_615 : vector<16xi32> to vector<1x16xi32>
    tpu.vector_store %arg6[%swap3A_617, %swap3A_618], %swap3A_621 {strides = array<i32>} : memref<4x128xi32, #tpu.memory_space<vmem>>, vector<1x16xi32>,
    %get3A_622 = arith.constant 400 : index
    %get3A_623 = tpu.vector_load %arg5[%get3A_622] {strides = array<i32>} : memref<512xf32, #tpu.memory_space<vmem>>, vector<16xf32>,
    %get3A_624 = vector.shape_cast %get3A_623 : vector<16xf32> to vector<16xf32>
    %sub3A_625 = arith.constant -5.000000e+05 : f32
    %sub3A_626 = vector.broadcast %sub3A_625 : f32 to vector<16xf32>
    %sub3A_627 = arith.subf %get3A_624, %sub3A_626 : vector<16xf32>
    %max3A_628 = arith.constant 0.000000e+00 : f32
    %max3A_629 = vector.broadcast %max3A_628 : f32 to vector<16xf32>
    %max3A_630 = arith.maximumf %sub3A_627, %max3A_629 : vector<16xf32>
    %min3A_631 = arith.constant 1.000000e+06 : f32
    %min3A_632 = vector.broadcast %min3A_631 : f32 to vector<16xf32>
    %min3A_633 = arith.minimumf %max3A_630, %min3A_632 : vector<16xf32>
    %add3A_634 = arith.constant 0x4B000000 : f32
    %add3A_635 = vector.broadcast %add3A_634 : f32 to vector<16xf32>
    %add3A_636 = arith.addf %min3A_633, %add3A_635 : vector<16xf32>
    %sub3A_637 = arith.constant 0x4B000000 : f32
    %sub3A_638 = vector.broadcast %sub3A_637 : f32 to vector<16xf32>
    %sub3A_639 = arith.subf %add3A_636, %sub3A_638 : vector<16xf32>
    %convert_element_type3A_640 = arith.fptosi %sub3A_639 : vector<16xf32> to vector<16xi32>
    %swap3A_641 = arith.constant 3 : i32
    %swap3A_642 = arith.index_cast %swap3A_641 : i32 to index
    %swap3A_643 = arith.constant 16 : index
    %swap3A_644 = tpu.vector_load %arg6[%swap3A_642, %swap3A_643] {strides = array<i32>} : memref<4x128xi32, #tpu.memory_space<vmem>>, vector<1x16xi32>,
    %swap3A_645 = vector.shape_cast %swap3A_644 : vector<1x16xi32> to vector<16xi32>
    %swap3A_646 = vector.shape_cast %convert_element_type3A_640 : vector<16xi32> to vector<1x16xi32>
    tpu.vector_store %arg6[%swap3A_642, %swap3A_643], %swap3A_646 {strides = array<i32>} : memref<4x128xi32, #tpu.memory_space<vmem>>, vector<1x16xi32>,
    %get3A_647 = arith.constant 416 : index
    %get3A_648 = tpu.vector_load %arg5[%get3A_647] {strides = array<i32>} : memref<512xf32, #tpu.memory_space<vmem>>, vector<16xf32>,
    %get3A_649 = vector.shape_cast %get3A_648 : vector<16xf32> to vector<16xf32>
    %sub3A_650 = arith.constant -5.000000e+05 : f32
    %sub3A_651 = vector.broadcast %sub3A_650 : f32 to vector<16xf32>
    %sub3A_652 = arith.subf %get3A_649, %sub3A_651 : vector<16xf32>
    %max3A_653 = arith.constant 0.000000e+00 : f32
    %max3A_654 = vector.broadcast %max3A_653 : f32 to vector<16xf32>
    %max3A_655 = arith.maximumf %sub3A_652, %max3A_654 : vector<16xf32>
    %min3A_656 = arith.constant 1.000000e+06 : f32
    %min3A_657 = vector.broadcast %min3A_656 : f32 to vector<16xf32>
    %min3A_658 = arith.minimumf %max3A_655, %min3A_657 : vector<16xf32>
    %add3A_659 = arith.constant 0x4B000000 : f32
    %add3A_660 = vector.broadcast %add3A_659 : f32 to vector<16xf32>
    %add3A_661 = arith.addf %min3A_658, %add3A_660 : vector<16xf32>
    %sub3A_662 = arith.constant 0x4B000000 : f32
    %sub3A_663 = vector.broadcast %sub3A_662 : f32 to vector<16xf32>
    %sub3A_664 = arith.subf %add3A_661, %sub3A_663 : vector<16xf32>
    %convert_element_type3A_665 = arith.fptosi %sub3A_664 : vector<16xf32> to vector<16xi32>
    %swap3A_666 = arith.constant 3 : i32
    %swap3A_667 = arith.index_cast %swap3A_666 : i32 to index
    %swap3A_668 = arith.constant 32 : index
    %swap3A_669 = tpu.vector_load %arg6[%swap3A_667, %swap3A_668] {strides = array<i32>} : memref<4x128xi32, #tpu.memory_space<vmem>>, vector<1x16xi32>,
    %swap3A_670 = vector.shape_cast %swap3A_669 : vector<1x16xi32> to vector<16xi32>
    %swap3A_671 = vector.shape_cast %convert_element_type3A_665 : vector<16xi32> to vector<1x16xi32>
    tpu.vector_store %arg6[%swap3A_667, %swap3A_668], %swap3A_671 {strides = array<i32>} : memref<4x128xi32, #tpu.memory_space<vmem>>, vector<1x16xi32>,
    %get3A_672 = arith.constant 432 : index
    %get3A_673 = tpu.vector_load %arg5[%get3A_672] {strides = array<i32>} : memref<512xf32, #tpu.memory_space<vmem>>, vector<16xf32>,
    %get3A_674 = vector.shape_cast %get3A_673 : vector<16xf32> to vector<16xf32>
    %sub3A_675 = arith.constant -5.000000e+05 : f32
    %sub3A_676 = vector.broadcast %sub3A_675 : f32 to vector<16xf32>
    %sub3A_677 = arith.subf %get3A_674, %sub3A_676 : vector<16xf32>
    %max3A_678 = arith.constant 0.000000e+00 : f32
    %max3A_679 = vector.broadcast %max3A_678 : f32 to vector<16xf32>
    %max3A_680 = arith.maximumf %sub3A_677, %max3A_679 : vector<16xf32>
    %min3A_681 = arith.constant 1.000000e+06 : f32
    %min3A_682 = vector.broadcast %min3A_681 : f32 to vector<16xf32>
    %min3A_683 = arith.minimumf %max3A_680, %min3A_682 : vector<16xf32>
    %add3A_684 = arith.constant 0x4B000000 : f32
    %add3A_685 = vector.broadcast %add3A_684 : f32 to vector<16xf32>
    %add3A_686 = arith.addf %min3A_683, %add3A_685 : vector<16xf32>
    %sub3A_687 = arith.constant 0x4B000000 : f32
    %sub3A_688 = vector.broadcast %sub3A_687 : f32 to vector<16xf32>
    %sub3A_689 = arith.subf %add3A_686, %sub3A_688 : vector<16xf32>
    %convert_element_type3A_690 = arith.fptosi %sub3A_689 : vector<16xf32> to vector<16xi32>
    %swap3A_691 = arith.constant 3 : i32
    %swap3A_692 = arith.index_cast %swap3A_691 : i32 to index
    %swap3A_693 = arith.constant 48 : index
    %swap3A_694 = tpu.vector_load %arg6[%swap3A_692, %swap3A_693] {strides = array<i32>} : memref<4x128xi32, #tpu.memory_space<vmem>>, vector<1x16xi32>,
    %swap3A_695 = vector.shape_cast %swap3A_694 : vector<1x16xi32> to vector<16xi32>
    %swap3A_696 = vector.shape_cast %convert_element_type3A_690 : vector<16xi32> to vector<1x16xi32>
    tpu.vector_store %arg6[%swap3A_692, %swap3A_693], %swap3A_696 {strides = array<i32>} : memref<4x128xi32, #tpu.memory_space<vmem>>, vector<1x16xi32>,
    %get3A_697 = arith.constant 448 : index
    %get3A_698 = tpu.vector_load %arg5[%get3A_697] {strides = array<i32>} : memref<512xf32, #tpu.memory_space<vmem>>, vector<16xf32>,
    %get3A_699 = vector.shape_cast %get3A_698 : vector<16xf32> to vector<16xf32>
    %sub3A_700 = arith.constant -5.000000e+05 : f32
    %sub3A_701 = vector.broadcast %sub3A_700 : f32 to vector<16xf32>
    %sub3A_702 = arith.subf %get3A_699, %sub3A_701 : vector<16xf32>
    %max3A_703 = arith.constant 0.000000e+00 : f32
    %max3A_704 = vector.broadcast %max3A_703 : f32 to vector<16xf32>
    %max3A_705 = arith.maximumf %sub3A_702, %max3A_704 : vector<16xf32>
    %min3A_706 = arith.constant 1.000000e+06 : f32
    %min3A_707 = vector.broadcast %min3A_706 : f32 to vector<16xf32>
    %min3A_708 = arith.minimumf %max3A_705, %min3A_707 : vector<16xf32>
    %add3A_709 = arith.constant 0x4B000000 : f32
    %add3A_710 = vector.broadcast %add3A_709 : f32 to vector<16xf32>
    %add3A_711 = arith.addf %min3A_708, %add3A_710 : vector<16xf32>
    %sub3A_712 = arith.constant 0x4B000000 : f32
    %sub3A_713 = vector.broadcast %sub3A_712 : f32 to vector<16xf32>
    %sub3A_714 = arith.subf %add3A_711, %sub3A_713 : vector<16xf32>
    %convert_element_type3A_715 = arith.fptosi %sub3A_714 : vector<16xf32> to vector<16xi32>
    %swap3A_716 = arith.constant 3 : i32
    %swap3A_717 = arith.index_cast %swap3A_716 : i32 to index
    %swap3A_718 = arith.constant 64 : index
    %swap3A_719 = tpu.vector_load %arg6[%swap3A_717, %swap3A_718] {strides = array<i32>} : memref<4x128xi32, #tpu.memory_space<vmem>>, vector<1x16xi32>,
    %swap3A_720 = vector.shape_cast %swap3A_719 : vector<1x16xi32> to vector<16xi32>
    %swap3A_721 = vector.shape_cast %convert_element_type3A_715 : vector<16xi32> to vector<1x16xi32>
    tpu.vector_store %arg6[%swap3A_717, %swap3A_718], %swap3A_721 {strides = array<i32>} : memref<4x128xi32, #tpu.memory_space<vmem>>, vector<1x16xi32>,
    %get3A_722 = arith.constant 464 : index
    %get3A_723 = tpu.vector_load %arg5[%get3A_722] {strides = array<i32>} : memref<512xf32, #tpu.memory_space<vmem>>, vector<16xf32>,
    %get3A_724 = vector.shape_cast %get3A_723 : vector<16xf32> to vector<16xf32>
    %sub3A_725 = arith.constant -5.000000e+05 : f32
    %sub3A_726 = vector.broadcast %sub3A_725 : f32 to vector<16xf32>
    %sub3A_727 = arith.subf %get3A_724, %sub3A_726 : vector<16xf32>
    %max3A_728 = arith.constant 0.000000e+00 : f32
    %max3A_729 = vector.broadcast %max3A_728 : f32 to vector<16xf32>
    %max3A_730 = arith.maximumf %sub3A_727, %max3A_729 : vector<16xf32>
    %min3A_731 = arith.constant 1.000000e+06 : f32
    %min3A_732 = vector.broadcast %min3A_731 : f32 to vector<16xf32>
    %min3A_733 = arith.minimumf %max3A_730, %min3A_732 : vector<16xf32>
    %add3A_734 = arith.constant 0x4B000000 : f32
    %add3A_735 = vector.broadcast %add3A_734 : f32 to vector<16xf32>
    %add3A_736 = arith.addf %min3A_733, %add3A_735 : vector<16xf32>
    %sub3A_737 = arith.constant 0x4B000000 : f32
    %sub3A_738 = vector.broadcast %sub3A_737 : f32 to vector<16xf32>
    %sub3A_739 = arith.subf %add3A_736, %sub3A_738 : vector<16xf32>
    %convert_element_type3A_740 = arith.fptosi %sub3A_739 : vector<16xf32> to vector<16xi32>
    %swap3A_741 = arith.constant 3 : i32
    %swap3A_742 = arith.index_cast %swap3A_741 : i32 to index
    %swap3A_743 = arith.constant 80 : index
    %swap3A_744 = tpu.vector_load %arg6[%swap3A_742, %swap3A_743] {strides = array<i32>} : memref<4x128xi32, #tpu.memory_space<vmem>>, vector<1x16xi32>,
    %swap3A_745 = vector.shape_cast %swap3A_744 : vector<1x16xi32> to vector<16xi32>
    %swap3A_746 = vector.shape_cast %convert_element_type3A_740 : vector<16xi32> to vector<1x16xi32>
    tpu.vector_store %arg6[%swap3A_742, %swap3A_743], %swap3A_746 {strides = array<i32>} : memref<4x128xi32, #tpu.memory_space<vmem>>, vector<1x16xi32>,
    %get3A_747 = arith.constant 480 : index
    %get3A_748 = tpu.vector_load %arg5[%get3A_747] {strides = array<i32>} : memref<512xf32, #tpu.memory_space<vmem>>, vector<16xf32>,
    %get3A_749 = vector.shape_cast %get3A_748 : vector<16xf32> to vector<16xf32>
    %sub3A_750 = arith.constant -5.000000e+05 : f32
    %sub3A_751 = vector.broadcast %sub3A_750 : f32 to vector<16xf32>
    %sub3A_752 = arith.subf %get3A_749, %sub3A_751 : vector<16xf32>
    %max3A_753 = arith.constant 0.000000e+00 : f32
    %max3A_754 = vector.broadcast %max3A_753 : f32 to vector<16xf32>
    %max3A_755 = arith.maximumf %sub3A_752, %max3A_754 : vector<16xf32>
    %min3A_756 = arith.constant 1.000000e+06 : f32
    %min3A_757 = vector.broadcast %min3A_756 : f32 to vector<16xf32>
    %min3A_758 = arith.minimumf %max3A_755, %min3A_757 : vector<16xf32>
    %add3A_759 = arith.constant 0x4B000000 : f32
    %add3A_760 = vector.broadcast %add3A_759 : f32 to vector<16xf32>
    %add3A_761 = arith.addf %min3A_758, %add3A_760 : vector<16xf32>
    %sub3A_762 = arith.constant 0x4B000000 : f32
    %sub3A_763 = vector.broadcast %sub3A_762 : f32 to vector<16xf32>
    %sub3A_764 = arith.subf %add3A_761, %sub3A_763 : vector<16xf32>
    %convert_element_type3A_765 = arith.fptosi %sub3A_764 : vector<16xf32> to vector<16xi32>
    %swap3A_766 = arith.constant 3 : i32
    %swap3A_767 = arith.index_cast %swap3A_766 : i32 to index
    %swap3A_768 = arith.constant 96 : index
    %swap3A_769 = tpu.vector_load %arg6[%swap3A_767, %swap3A_768] {strides = array<i32>} : memref<4x128xi32, #tpu.memory_space<vmem>>, vector<1x16xi32>,
    %swap3A_770 = vector.shape_cast %swap3A_769 : vector<1x16xi32> to vector<16xi32>
    %swap3A_771 = vector.shape_cast %convert_element_type3A_765 : vector<16xi32> to vector<1x16xi32>
    tpu.vector_store %arg6[%swap3A_767, %swap3A_768], %swap3A_771 {strides = array<i32>} : memref<4x128xi32, #tpu.memory_space<vmem>>, vector<1x16xi32>,
    %get3A_772 = arith.constant 496 : index
    %get3A_773 = tpu.vector_load %arg5[%get3A_772] {strides = array<i32>} : memref<512xf32, #tpu.memory_space<vmem>>, vector<16xf32>,
    %get3A_774 = vector.shape_cast %get3A_773 : vector<16xf32> to vector<16xf32>
    %sub3A_775 = arith.constant -5.000000e+05 : f32
    %sub3A_776 = vector.broadcast %sub3A_775 : f32 to vector<16xf32>
    %sub3A_777 = arith.subf %get3A_774, %sub3A_776 : vector<16xf32>
    %max3A_778 = arith.constant 0.000000e+00 : f32
    %max3A_779 = vector.broadcast %max3A_778 : f32 to vector<16xf32>
    %max3A_780 = arith.maximumf %sub3A_777, %max3A_779 : vector<16xf32>
    %min3A_781 = arith.constant 1.000000e+06 : f32
    %min3A_782 = vector.broadcast %min3A_781 : f32 to vector<16xf32>
    %min3A_783 = arith.minimumf %max3A_780, %min3A_782 : vector<16xf32>
    %add3A_784 = arith.constant 0x4B000000 : f32
    %add3A_785 = vector.broadcast %add3A_784 : f32 to vector<16xf32>
    %add3A_786 = arith.addf %min3A_783, %add3A_785 : vector<16xf32>
    %sub3A_787 = arith.constant 0x4B000000 : f32
    %sub3A_788 = vector.broadcast %sub3A_787 : f32 to vector<16xf32>
    %sub3A_789 = arith.subf %add3A_786, %sub3A_788 : vector<16xf32>
    %convert_element_type3A_790 = arith.fptosi %sub3A_789 : vector<16xf32> to vector<16xi32>
    %swap3A_791 = arith.constant 3 : i32
    %swap3A_792 = arith.index_cast %swap3A_791 : i32 to index
    %swap3A_793 = arith.constant 112 : index
    %swap3A_794 = tpu.vector_load %arg6[%swap3A_792, %swap3A_793] {strides = array<i32>} : memref<4x128xi32, #tpu.memory_space<vmem>>, vector<1x16xi32>,
    %swap3A_795 = vector.shape_cast %swap3A_794 : vector<1x16xi32> to vector<16xi32>
    %swap3A_796 = vector.shape_cast %convert_element_type3A_790 : vector<16xi32> to vector<1x16xi32>
    tpu.vector_store %arg6[%swap3A_792, %swap3A_793], %swap3A_796 {strides = array<i32>} : memref<4x128xi32, #tpu.memory_space<vmem>>, vector<1x16xi32>,
    %eq3A = arith.constant 0 : i32
    %eq3A_797 = arith.cmpi eq, %arg1, %eq3A : i32
    %convert_element_type3A_798 = arith.extui %eq3A_797 : i1 to i32
    %cond3A = arith.constant 0 : i32
    %cond3A_799 = arith.cmpi ne, %convert_element_type3A_798, %cond3A : i32
    scf.if %cond3A_799 {
      %semaphore_wait3A = arith.constant 1 : i32
      %semaphore_wait3A_918 = arith.constant true
      tpu.sem_wait %arg14, %semaphore_wait3A : memref<!tpu.semaphore, #tpu.memory_space<semaphore_mem>>
    } else {
    }
    %barrier3A = arith.constant 0 : index
    tpu.barrier barrier_id(%barrier3A)
    %dma_start3A = arith.constant 0 : i32
    %dma_start3A_800 = arith.constant 0 : i32
    %dma_start3A_801 = tpu.memref_slice %arg7[%dma_start3A_800] : memref<512xf32, #tpu.memory_space<vmem>> -> memref<128xf32, #tpu.memory_space<vmem>>
    %dma_start3A_802 = arith.constant 0 : i32
    %dma_start3A_803 = tpu.memref_slice %arg6[%dma_start3A, %dma_start3A_802] : memref<4x128xi32, #tpu.memory_space<vmem>> -> memref<1x128xi32, #tpu.memory_space<vmem>>
    %dma_start3A_804 = tpu.memref_squeeze %dma_start3A_803 : memref<1x128xi32, #tpu.memory_space<vmem>> -> memref<128xi32, #tpu.memory_space<vmem>>
    %dma_start3A_805 = arith.constant 0 : i32
    %dma_start3A_806 = tpu.memref_slice %arg8[%dma_start3A_805] : memref<1000001xf32, #tpu.memory_space<vmem_shared>> -> memref<1000001xf32, #tpu.memory_space<vmem_shared>>
    tpu.enqueue_indirect_dma source(%dma_start3A_806 : memref<1000001xf32, #tpu.memory_space<vmem_shared>>) target(%dma_start3A_801 : memref<128xf32, #tpu.memory_space<vmem>>) offsets(%dma_start3A_804 : memref<128xi32, #tpu.memory_space<vmem>>) semaphore(%arg9 : memref<!tpu.dma_semaphore, #tpu.memory_space<semaphore_mem>>)
    %dma_start3A_807 = arith.constant 1 : i32
    %dma_start3A_808 = arith.constant 128 : i32
    %dma_start3A_809 = tpu.memref_slice %arg7[%dma_start3A_808] : memref<512xf32, #tpu.memory_space<vmem>> -> memref<128xf32, #tpu.memory_space<vmem>>
    %dma_start3A_810 = arith.constant 0 : i32
    %dma_start3A_811 = tpu.memref_slice %arg6[%dma_start3A_807, %dma_start3A_810] : memref<4x128xi32, #tpu.memory_space<vmem>> -> memref<1x128xi32, #tpu.memory_space<vmem>>
    %dma_start3A_812 = tpu.memref_squeeze %dma_start3A_811 : memref<1x128xi32, #tpu.memory_space<vmem>> -> memref<128xi32, #tpu.memory_space<vmem>>
    %dma_start3A_813 = arith.constant 0 : i32
    %dma_start3A_814 = tpu.memref_slice %arg8[%dma_start3A_813] : memref<1000001xf32, #tpu.memory_space<vmem_shared>> -> memref<1000001xf32, #tpu.memory_space<vmem_shared>>
    tpu.enqueue_indirect_dma source(%dma_start3A_814 : memref<1000001xf32, #tpu.memory_space<vmem_shared>>) target(%dma_start3A_809 : memref<128xf32, #tpu.memory_space<vmem>>) offsets(%dma_start3A_812 : memref<128xi32, #tpu.memory_space<vmem>>) semaphore(%arg10 : memref<!tpu.dma_semaphore, #tpu.memory_space<semaphore_mem>>)
    %dma_start3A_815 = arith.constant 2 : i32
    %dma_start3A_816 = arith.constant 256 : i32
    %dma_start3A_817 = tpu.memref_slice %arg7[%dma_start3A_816] : memref<512xf32, #tpu.memory_space<vmem>> -> memref<128xf32, #tpu.memory_space<vmem>>
    %dma_start3A_818 = arith.constant 0 : i32
    %dma_start3A_819 = tpu.memref_slice %arg6[%dma_start3A_815, %dma_start3A_818] : memref<4x128xi32, #tpu.memory_space<vmem>> -> memref<1x128xi32, #tpu.memory_space<vmem>>
    %dma_start3A_820 = tpu.memref_squeeze %dma_start3A_819 : memref<1x128xi32, #tpu.memory_space<vmem>> -> memref<128xi32, #tpu.memory_space<vmem>>
    %dma_start3A_821 = arith.constant 0 : i32
    %dma_start3A_822 = tpu.memref_slice %arg8[%dma_start3A_821] : memref<1000001xf32, #tpu.memory_space<vmem_shared>> -> memref<1000001xf32, #tpu.memory_space<vmem_shared>>
    tpu.enqueue_indirect_dma source(%dma_start3A_822 : memref<1000001xf32, #tpu.memory_space<vmem_shared>>) target(%dma_start3A_817 : memref<128xf32, #tpu.memory_space<vmem>>) offsets(%dma_start3A_820 : memref<128xi32, #tpu.memory_space<vmem>>) semaphore(%arg11 : memref<!tpu.dma_semaphore, #tpu.memory_space<semaphore_mem>>)
    %dma_start3A_823 = arith.constant 3 : i32
    %dma_start3A_824 = arith.constant 384 : i32
    %dma_start3A_825 = tpu.memref_slice %arg7[%dma_start3A_824] : memref<512xf32, #tpu.memory_space<vmem>> -> memref<128xf32, #tpu.memory_space<vmem>>
    %dma_start3A_826 = arith.constant 0 : i32
    %dma_start3A_827 = tpu.memref_slice %arg6[%dma_start3A_823, %dma_start3A_826] : memref<4x128xi32, #tpu.memory_space<vmem>> -> memref<1x128xi32, #tpu.memory_space<vmem>>
    %dma_start3A_828 = tpu.memref_squeeze %dma_start3A_827 : memref<1x128xi32, #tpu.memory_space<vmem>> -> memref<128xi32, #tpu.memory_space<vmem>>
    %dma_start3A_829 = arith.constant 0 : i32
    %dma_start3A_830 = tpu.memref_slice %arg8[%dma_start3A_829] : memref<1000001xf32, #tpu.memory_space<vmem_shared>> -> memref<1000001xf32, #tpu.memory_space<vmem_shared>>
    tpu.enqueue_indirect_dma source(%dma_start3A_830 : memref<1000001xf32, #tpu.memory_space<vmem_shared>>) target(%dma_start3A_825 : memref<128xf32, #tpu.memory_space<vmem>>) offsets(%dma_start3A_828 : memref<128xi32, #tpu.memory_space<vmem>>) semaphore(%arg12 : memref<!tpu.dma_semaphore, #tpu.memory_space<semaphore_mem>>)
    %dma_wait3A = arith.constant 0 : i32
    %dma_wait3A_831 = arith.constant 0 : i32
    %dma_wait3A_832 = tpu.memref_slice %arg7[%dma_wait3A_831] : memref<512xf32, #tpu.memory_space<vmem>> -> memref<128xf32, #tpu.memory_space<vmem>>
    %dma_wait3A_833 = arith.constant 0 : i32
    %dma_wait3A_834 = tpu.memref_slice %arg6[%dma_wait3A, %dma_wait3A_833] : memref<4x128xi32, #tpu.memory_space<vmem>> -> memref<1x128xi32, #tpu.memory_space<vmem>>
    %dma_wait3A_835 = tpu.memref_squeeze %dma_wait3A_834 : memref<1x128xi32, #tpu.memory_space<vmem>> -> memref<128xi32, #tpu.memory_space<vmem>>
    %dma_wait3A_836 = arith.constant 0 : i32
    %dma_wait3A_837 = tpu.memref_slice %arg8[%dma_wait3A_836] : memref<1000001xf32, #tpu.memory_space<vmem_shared>> -> memref<1000001xf32, #tpu.memory_space<vmem_shared>>
    tpu.wait_indirect_dma semaphore(%arg9 : memref<!tpu.dma_semaphore, #tpu.memory_space<semaphore_mem>>) src(%dma_wait3A_837 : memref<1000001xf32, #tpu.memory_space<vmem_shared>>) dst(%dma_wait3A_832 : memref<128xf32, #tpu.memory_space<vmem>>)
    %add3A_838 = arith.constant 0 : i32
    %add3A_839 = arith.addi %mul3A_2, %add3A_838 : i32
    %dma_start3A_840 = arith.constant 0 : i32
    %dma_start3A_841 = tpu.memref_slice %arg7[%dma_start3A_840] : memref<512xf32, #tpu.memory_space<vmem>> -> memref<128xf32, #tpu.memory_space<vmem>>
    %dma_start3A_842 = tpu.memref_slice %arg4[%add3A_839] : memref<16384xf32, #tpu.memory_space<hbm>> -> memref<128xf32, #tpu.memory_space<hbm>>
    %dma_start3A_843 = tpu.memref_slice %arg4[%add3A_839] : memref<16384xf32, #tpu.memory_space<hbm>> -> memref<128xf32, #tpu.memory_space<hbm>>
    %dma_start3A_844 = arith.constant 0 : i32
    %dma_start3A_845 = tpu.memref_slice %arg7[%dma_start3A_844] : memref<512xf32, #tpu.memory_space<vmem>> -> memref<128xf32, #tpu.memory_space<vmem>>
    tpu.enqueue_dma source(%dma_start3A_845 : memref<128xf32, #tpu.memory_space<vmem>>) target(%dma_start3A_843 : memref<128xf32, #tpu.memory_space<hbm>>) target_semaphore(%arg13 : memref<!tpu.dma_semaphore, #tpu.memory_space<semaphore_mem>>)
    %dma_wait3A_846 = arith.constant 1 : i32
    %dma_wait3A_847 = arith.constant 128 : i32
    %dma_wait3A_848 = tpu.memref_slice %arg7[%dma_wait3A_847] : memref<512xf32, #tpu.memory_space<vmem>> -> memref<128xf32, #tpu.memory_space<vmem>>
    %dma_wait3A_849 = arith.constant 0 : i32
    %dma_wait3A_850 = tpu.memref_slice %arg6[%dma_wait3A_846, %dma_wait3A_849] : memref<4x128xi32, #tpu.memory_space<vmem>> -> memref<1x128xi32, #tpu.memory_space<vmem>>
    %dma_wait3A_851 = tpu.memref_squeeze %dma_wait3A_850 : memref<1x128xi32, #tpu.memory_space<vmem>> -> memref<128xi32, #tpu.memory_space<vmem>>
    %dma_wait3A_852 = arith.constant 0 : i32
    %dma_wait3A_853 = tpu.memref_slice %arg8[%dma_wait3A_852] : memref<1000001xf32, #tpu.memory_space<vmem_shared>> -> memref<1000001xf32, #tpu.memory_space<vmem_shared>>
    tpu.wait_indirect_dma semaphore(%arg10 : memref<!tpu.dma_semaphore, #tpu.memory_space<semaphore_mem>>) src(%dma_wait3A_853 : memref<1000001xf32, #tpu.memory_space<vmem_shared>>) dst(%dma_wait3A_848 : memref<128xf32, #tpu.memory_space<vmem>>)
    %add3A_854 = arith.constant 128 : i32
    %add3A_855 = arith.addi %mul3A_2, %add3A_854 : i32
    %dma_start3A_856 = arith.constant 128 : i32
    %dma_start3A_857 = tpu.memref_slice %arg7[%dma_start3A_856] : memref<512xf32, #tpu.memory_space<vmem>> -> memref<128xf32, #tpu.memory_space<vmem>>
    %dma_start3A_858 = tpu.memref_slice %arg4[%add3A_855] : memref<16384xf32, #tpu.memory_space<hbm>> -> memref<128xf32, #tpu.memory_space<hbm>>
    %dma_start3A_859 = tpu.memref_slice %arg4[%add3A_855] : memref<16384xf32, #tpu.memory_space<hbm>> -> memref<128xf32, #tpu.memory_space<hbm>>
    %dma_start3A_860 = arith.constant 128 : i32
    %dma_start3A_861 = tpu.memref_slice %arg7[%dma_start3A_860] : memref<512xf32, #tpu.memory_space<vmem>> -> memref<128xf32, #tpu.memory_space<vmem>>
    tpu.enqueue_dma source(%dma_start3A_861 : memref<128xf32, #tpu.memory_space<vmem>>) target(%dma_start3A_859 : memref<128xf32, #tpu.memory_space<hbm>>) target_semaphore(%arg13 : memref<!tpu.dma_semaphore, #tpu.memory_space<semaphore_mem>>)
    %dma_wait3A_862 = arith.constant 2 : i32
    %dma_wait3A_863 = arith.constant 256 : i32
    %dma_wait3A_864 = tpu.memref_slice %arg7[%dma_wait3A_863] : memref<512xf32, #tpu.memory_space<vmem>> -> memref<128xf32, #tpu.memory_space<vmem>>
    %dma_wait3A_865 = arith.constant 0 : i32
    %dma_wait3A_866 = tpu.memref_slice %arg6[%dma_wait3A_862, %dma_wait3A_865] : memref<4x128xi32, #tpu.memory_space<vmem>> -> memref<1x128xi32, #tpu.memory_space<vmem>>
    %dma_wait3A_867 = tpu.memref_squeeze %dma_wait3A_866 : memref<1x128xi32, #tpu.memory_space<vmem>> -> memref<128xi32, #tpu.memory_space<vmem>>
    %dma_wait3A_868 = arith.constant 0 : i32
    %dma_wait3A_869 = tpu.memref_slice %arg8[%dma_wait3A_868] : memref<1000001xf32, #tpu.memory_space<vmem_shared>> -> memref<1000001xf32, #tpu.memory_space<vmem_shared>>
    tpu.wait_indirect_dma semaphore(%arg11 : memref<!tpu.dma_semaphore, #tpu.memory_space<semaphore_mem>>) src(%dma_wait3A_869 : memref<1000001xf32, #tpu.memory_space<vmem_shared>>) dst(%dma_wait3A_864 : memref<128xf32, #tpu.memory_space<vmem>>)
    %add3A_870 = arith.constant 256 : i32
    %add3A_871 = arith.addi %mul3A_2, %add3A_870 : i32
    %dma_start3A_872 = arith.constant 256 : i32
    %dma_start3A_873 = tpu.memref_slice %arg7[%dma_start3A_872] : memref<512xf32, #tpu.memory_space<vmem>> -> memref<128xf32, #tpu.memory_space<vmem>>
    %dma_start3A_874 = tpu.memref_slice %arg4[%add3A_871] : memref<16384xf32, #tpu.memory_space<hbm>> -> memref<128xf32, #tpu.memory_space<hbm>>
    %dma_start3A_875 = tpu.memref_slice %arg4[%add3A_871] : memref<16384xf32, #tpu.memory_space<hbm>> -> memref<128xf32, #tpu.memory_space<hbm>>
    %dma_start3A_876 = arith.constant 256 : i32
    %dma_start3A_877 = tpu.memref_slice %arg7[%dma_start3A_876] : memref<512xf32, #tpu.memory_space<vmem>> -> memref<128xf32, #tpu.memory_space<vmem>>
    tpu.enqueue_dma source(%dma_start3A_877 : memref<128xf32, #tpu.memory_space<vmem>>) target(%dma_start3A_875 : memref<128xf32, #tpu.memory_space<hbm>>) target_semaphore(%arg13 : memref<!tpu.dma_semaphore, #tpu.memory_space<semaphore_mem>>)
    %dma_wait3A_878 = arith.constant 3 : i32
    %dma_wait3A_879 = arith.constant 384 : i32
    %dma_wait3A_880 = tpu.memref_slice %arg7[%dma_wait3A_879] : memref<512xf32, #tpu.memory_space<vmem>> -> memref<128xf32, #tpu.memory_space<vmem>>
    %dma_wait3A_881 = arith.constant 0 : i32
    %dma_wait3A_882 = tpu.memref_slice %arg6[%dma_wait3A_878, %dma_wait3A_881] : memref<4x128xi32, #tpu.memory_space<vmem>> -> memref<1x128xi32, #tpu.memory_space<vmem>>
    %dma_wait3A_883 = tpu.memref_squeeze %dma_wait3A_882 : memref<1x128xi32, #tpu.memory_space<vmem>> -> memref<128xi32, #tpu.memory_space<vmem>>
    %dma_wait3A_884 = arith.constant 0 : i32
    %dma_wait3A_885 = tpu.memref_slice %arg8[%dma_wait3A_884] : memref<1000001xf32, #tpu.memory_space<vmem_shared>> -> memref<1000001xf32, #tpu.memory_space<vmem_shared>>
    tpu.wait_indirect_dma semaphore(%arg12 : memref<!tpu.dma_semaphore, #tpu.memory_space<semaphore_mem>>) src(%dma_wait3A_885 : memref<1000001xf32, #tpu.memory_space<vmem_shared>>) dst(%dma_wait3A_880 : memref<128xf32, #tpu.memory_space<vmem>>)
    %add3A_886 = arith.constant 384 : i32
    %add3A_887 = arith.addi %mul3A_2, %add3A_886 : i32
    %dma_start3A_888 = arith.constant 384 : i32
    %dma_start3A_889 = tpu.memref_slice %arg7[%dma_start3A_888] : memref<512xf32, #tpu.memory_space<vmem>> -> memref<128xf32, #tpu.memory_space<vmem>>
    %dma_start3A_890 = tpu.memref_slice %arg4[%add3A_887] : memref<16384xf32, #tpu.memory_space<hbm>> -> memref<128xf32, #tpu.memory_space<hbm>>
    %dma_start3A_891 = tpu.memref_slice %arg4[%add3A_887] : memref<16384xf32, #tpu.memory_space<hbm>> -> memref<128xf32, #tpu.memory_space<hbm>>
    %dma_start3A_892 = arith.constant 384 : i32
    %dma_start3A_893 = tpu.memref_slice %arg7[%dma_start3A_892] : memref<512xf32, #tpu.memory_space<vmem>> -> memref<128xf32, #tpu.memory_space<vmem>>
    tpu.enqueue_dma source(%dma_start3A_893 : memref<128xf32, #tpu.memory_space<vmem>>) target(%dma_start3A_891 : memref<128xf32, #tpu.memory_space<hbm>>) target_semaphore(%arg13 : memref<!tpu.dma_semaphore, #tpu.memory_space<semaphore_mem>>)
    %dma_wait3A_894 = arith.constant 0 : i32
    %dma_wait3A_895 = tpu.memref_slice %arg7[%dma_wait3A_894] : memref<512xf32, #tpu.memory_space<vmem>> -> memref<128xf32, #tpu.memory_space<vmem>>
    %dma_wait3A_896 = tpu.memref_slice %arg4[%add3A_839] : memref<16384xf32, #tpu.memory_space<hbm>> -> memref<128xf32, #tpu.memory_space<hbm>>
    %dma_wait3A_897 = tpu.memref_slice %arg4[%add3A_839] : memref<16384xf32, #tpu.memory_space<hbm>> -> memref<128xf32, #tpu.memory_space<hbm>>
    %dma_wait3A_898 = arith.constant 0 : i32
    %dma_wait3A_899 = tpu.memref_slice %arg7[%dma_wait3A_898] : memref<512xf32, #tpu.memory_space<vmem>> -> memref<128xf32, #tpu.memory_space<vmem>>
    tpu.wait_dma2 semaphore(%arg13 : memref<!tpu.dma_semaphore, #tpu.memory_space<semaphore_mem>>) src(%dma_wait3A_899 : memref<128xf32, #tpu.memory_space<vmem>>) dst(%dma_wait3A_897 : memref<128xf32, #tpu.memory_space<hbm>>)
    %dma_wait3A_900 = arith.constant 128 : i32
    %dma_wait3A_901 = tpu.memref_slice %arg7[%dma_wait3A_900] : memref<512xf32, #tpu.memory_space<vmem>> -> memref<128xf32, #tpu.memory_space<vmem>>
    %dma_wait3A_902 = tpu.memref_slice %arg4[%add3A_855] : memref<16384xf32, #tpu.memory_space<hbm>> -> memref<128xf32, #tpu.memory_space<hbm>>
    %dma_wait3A_903 = tpu.memref_slice %arg4[%add3A_855] : memref<16384xf32, #tpu.memory_space<hbm>> -> memref<128xf32, #tpu.memory_space<hbm>>
    %dma_wait3A_904 = arith.constant 128 : i32
    %dma_wait3A_905 = tpu.memref_slice %arg7[%dma_wait3A_904] : memref<512xf32, #tpu.memory_space<vmem>> -> memref<128xf32, #tpu.memory_space<vmem>>
    tpu.wait_dma2 semaphore(%arg13 : memref<!tpu.dma_semaphore, #tpu.memory_space<semaphore_mem>>) src(%dma_wait3A_905 : memref<128xf32, #tpu.memory_space<vmem>>) dst(%dma_wait3A_903 : memref<128xf32, #tpu.memory_space<hbm>>)
    %dma_wait3A_906 = arith.constant 256 : i32
    %dma_wait3A_907 = tpu.memref_slice %arg7[%dma_wait3A_906] : memref<512xf32, #tpu.memory_space<vmem>> -> memref<128xf32, #tpu.memory_space<vmem>>
    %dma_wait3A_908 = tpu.memref_slice %arg4[%add3A_871] : memref<16384xf32, #tpu.memory_space<hbm>> -> memref<128xf32, #tpu.memory_space<hbm>>
    %dma_wait3A_909 = tpu.memref_slice %arg4[%add3A_871] : memref<16384xf32, #tpu.memory_space<hbm>> -> memref<128xf32, #tpu.memory_space<hbm>>
    %dma_wait3A_910 = arith.constant 256 : i32
    %dma_wait3A_911 = tpu.memref_slice %arg7[%dma_wait3A_910] : memref<512xf32, #tpu.memory_space<vmem>> -> memref<128xf32, #tpu.memory_space<vmem>>
    tpu.wait_dma2 semaphore(%arg13 : memref<!tpu.dma_semaphore, #tpu.memory_space<semaphore_mem>>) src(%dma_wait3A_911 : memref<128xf32, #tpu.memory_space<vmem>>) dst(%dma_wait3A_909 : memref<128xf32, #tpu.memory_space<hbm>>)
    %dma_wait3A_912 = arith.constant 384 : i32
    %dma_wait3A_913 = tpu.memref_slice %arg7[%dma_wait3A_912] : memref<512xf32, #tpu.memory_space<vmem>> -> memref<128xf32, #tpu.memory_space<vmem>>
    %dma_wait3A_914 = tpu.memref_slice %arg4[%add3A_887] : memref<16384xf32, #tpu.memory_space<hbm>> -> memref<128xf32, #tpu.memory_space<hbm>>
    %dma_wait3A_915 = tpu.memref_slice %arg4[%add3A_887] : memref<16384xf32, #tpu.memory_space<hbm>> -> memref<128xf32, #tpu.memory_space<hbm>>
    %dma_wait3A_916 = arith.constant 384 : i32
    %dma_wait3A_917 = tpu.memref_slice %arg7[%dma_wait3A_916] : memref<512xf32, #tpu.memory_space<vmem>> -> memref<128xf32, #tpu.memory_space<vmem>>
    tpu.wait_dma2 semaphore(%arg13 : memref<!tpu.dma_semaphore, #tpu.memory_space<semaphore_mem>>) src(%dma_wait3A_917 : memref<128xf32, #tpu.memory_space<vmem>>) dst(%dma_wait3A_915 : memref<128xf32, #tpu.memory_space<hbm>>)
    return
  }
}

</mosaic_0001>

<sc_bundles>
// kernel: kernel.3.cloned.1.call-start
scs
__scs_entry_jumppad:
0x0: {  	(pc) =	sbr.rel $0x88, $3  }
0x1: {  	(tag) =	ssettag $0x0;
	lr =	simm.s32 $0x1  }
0x2: {  	[smem:$0x3F9F] =	sst lr;
	_ =	strace $0xD0000000  }
0x3: {  	_ = 	snop  }
0x4: {  	_ = 	snop  }
0x5: {  	_ = 	snop  }
0x6: {  	_ = 	snop  }
0x7: {  	_ = 	snop  }
__scs_overlays_trampoline_lowered:
0x8: {  	[smem:$0x3FAE] =	sst s0  }
0x9: {  	[smem:$0x3FAF] =	sst s1  }
0xa: {  	[smem:$0x3FB0] =	sst s2  }
0xb: {  	[smem:$0x3FB1] =	sst s3  }
0xc: {  	[smem:$0x3FB2] =	sst s4  }
0xd: {  	[smem:$0x3FB3] =	sst s5  }
0xe: {  	[smem:$0x3FB4] =	sst s6  }
0xf: {  	[smem:$0x3FB5] =	sst s7  }
0x10: {  	[smem:$0x3FB6] =	sst s8  }
0x11: {  	[smem:$0x3FB7] =	sst s9;
	s0 =	simm.s32 @!p0 $0x0  }
0x12: {  	s1 =	sld [smem:$0x3F9D];
	s0 =	simm.s32 @p0 $0x1  }
0x13: {  	[smem:$0x3FB8] =	sst s0;
	s0 =	simm.s32 @!p1 $0x0  }
0x14: {  	s2 =	sld [smem:$0x3F9C];
	s0 =	simm.s32 @p1 $0x1  }
0x15: {  	[smem:$0x3FB9] =	sst s0;
	s0 =	simm.s32 @!p2 $0x0  }
0x16: {  	s3 =	sld [smem:$0x3FDB];
	s0 =	simm.s32 @p2 $0x1  }
0x17: {  	s4 =	simm.s32 $0x1BF5;
	[smem:$0x3FBB] =	sst s0  }
0x18: {  	s0 =	sld [smem:$0x3F9E];
	_ =	swait.ge [sflag:s4], $0x0  }
0x19: {  	s7 =	sld [smem:$0x3F9F]  }
0x1a: {  	s8 =	sadd.s32 $0xFFFFE003, lr  }
0x1b: {  	s9 =	sadd.s32 $0xFFFFFEF7, lr;
	s5 =	simm.s32 $0xFFFFFFFF;
	p2 =	slt.u32 s8, $0xFFFFF086  }
0x1c: {  	p1 =	slt.u32 s9, $0xF7A;
	s5 =	simm.s32 @!p2 $0x0  }
0x1d: {  	s5 =	simm.s32 @p1 $0x1;
	p0 =	seq.s32 s7, s2  }
0x1e: {  	s7 =	smul.u32 @!p0 $0xF7A, s2;
	p2 =	seq.s32 @!p0 s5, $0x0  }
0x1f: {  	s9 =	smul.u32 $0xF7A, s1;
	s8 =	simm.s32 @!p0 $0x1BF5;
	p2 =	por !p2, p0  }
0x20: {  	[sflag:s8] =	ssyncset.s32 @!p0 $0xFFFFF086;
	s6 =	sadd.s32 @!p0 s3, s7;
	s7 =	simm.s32 @!p0 $0x108  }
0x21: {  	s3 =	sadd.s32 s3, s9;
	s6 =	sadd.s32 @!p0 $0x88, s6;
	s7 =	simm.s32 @p2 $0x1082  }
0x22: {  	[simem:s7], [sflag:s8] =	dma.local @!p0 [hbm:s6], $0xF7A  }
0x23: {  	s9 =	sor.u32 $0xD0000000, s2;
	s6 =	simm.s32 $0x108;
	_ =	swait.ge @!p0 [sflag:s8], $0x0  }
0x24: {  	s3 =	sadd.s32 $0x88, s3;
	s6 =	simm.s32 @!p1 $0x1082;
	[sflag:s4] =	ssyncset.s32 $0xFFFFF086  }
0x25: {  	[simem:s6], [sflag:s4] =	dma.local [hbm:s3], $0xF7A  }
0x26: {  	[smem:$0x3F9F] =	sst s1;
	(tag) =	ssettag s2;
	_ =	strace s9  }
0x27: {  	s1 =	sld [smem:$0x3FAF]  }
0x28: {  	s2 =	sld [smem:$0x3FB0]  }
0x29: {  	s4 =	sld [smem:$0x3FB2]  }
0x2a: {  	p0 =	seq.s32 s5, $0x0;
	s5 =	sld [smem:$0x3FB3]  }
0x2b: {  	s6 =	sld [smem:$0x3FB4]  }
0x2c: {  	s7 =	sld [smem:$0x3FB5]  }
0x2d: {  	s3 =	simm.s32 $0x108;
	s8 =	sld [smem:$0x3FB6]  }
0x2e: {  	s3 =	simm.s32 @!p0 $0x1082;
	s9 =	sld [smem:$0x3FB7]  }
0x2f: {  	lr =	sadd.s32 s0, s3;
	s0 =	sld [smem:$0x3FAE]  }
0x30: {  	s3 =	sld [smem:$0x3FB1]  }
0x31: {  	[smem:$0x3FBA] =	sst s10  }
0x32: {  	s10 =	sld [smem:$0x3FB8];
	_ =	sdelay $0x3  }
0x33: {  	p0 =	seq.s32 s10, $0x1;
	s10 =	sld [smem:$0x3FBA];
	_ =	sdelay $0x3  }
0x34: {  	[smem:$0x3FBA] =	sst s10  }
0x35: {  	s10 =	sld [smem:$0x3FB9];
	_ =	sdelay $0x3  }
0x36: {  	p1 =	seq.s32 s10, $0x1;
	s10 =	sld [smem:$0x3FBA];
	_ =	sdelay $0x3  }
0x37: {  	[smem:$0x3FBA] =	sst s10  }
0x38: {  	s10 =	sld [smem:$0x3FBB]  }
0x39: {  	_ = 	snop;
	(pc) =	sbr.ind lr, $3  }
0x3a: {  	_ = 	snop  }
0x3b: {  	_ = 	snop  }
0x3c: {  	p2 =	seq.s32 s10, $0x1;
	s10 =	sld [smem:$0x3FBA]  }
0x3d: {  	_ =	shalt  }
0x3e: {  	_ =	shalt  }
0x3f: {  	_ =	shalt  }
0x40: {  	_ =	shalt  }
0x41: {  	_ =	shalt  }
0x42: {  	_ =	shalt  }
0x43: {  	_ =	shalt  }
0x44: {  	_ =	shalt  }
0x45: {  	_ =	shalt  }
0x46: {  	_ =	shalt  }
0x47: {  	_ =	shalt  }
0x48: {  	_ =	shalt  }
0x49: {  	_ =	shalt  }
0x4a: {  	_ =	shalt  }
0x4b: {  	_ =	shalt  }
0x4c: {  	_ =	shalt  }
0x4d: {  	_ =	shalt  }
0x4e: {  	_ =	shalt  }
0x4f: {  	_ =	shalt  }
0x50: {  	_ =	shalt  }
0x51: {  	_ =	shalt  }
0x52: {  	_ =	shalt  }
0x53: {  	_ =	shalt  }
0x54: {  	_ =	shalt  }
0x55: {  	_ =	shalt  }
0x56: {  	_ =	shalt  }
0x57: {  	_ =	shalt  }
0x58: {  	_ =	shalt  }
0x59: {  	_ =	shalt  }
0x5a: {  	_ =	shalt  }
0x5b: {  	_ =	shalt  }
0x5c: {  	_ =	shalt  }
0x5d: {  	_ =	shalt  }
0x5e: {  	_ =	shalt  }
0x5f: {  	_ =	shalt  }
0x60: {  	_ =	shalt  }
0x61: {  	_ =	shalt  }
0x62: {  	_ =	shalt  }
0x63: {  	_ =	shalt  }
0x64: {  	_ =	shalt  }
0x65: {  	_ =	shalt  }
0x66: {  	_ =	shalt  }
0x67: {  	_ =	shalt  }
0x68: {  	_ =	shalt  }
0x69: {  	_ =	shalt  }
0x6a: {  	_ =	shalt  }
0x6b: {  	_ =	shalt  }
0x6c: {  	_ =	shalt  }
0x6d: {  	_ =	shalt  }
0x6e: {  	_ =	shalt  }
0x6f: {  	_ =	shalt  }
0x70: {  	_ =	shalt  }
0x71: {  	_ =	shalt  }
0x72: {  	_ =	shalt  }
0x73: {  	_ =	shalt  }
0x74: {  	_ =	shalt  }
0x75: {  	_ =	shalt  }
0x76: {  	_ =	shalt  }
0x77: {  	_ =	shalt  }
0x78: {  	_ =	shalt  }
0x79: {  	_ =	shalt  }
0x7a: {  	_ =	shalt  }
0x7b: {  	_ =	shalt  }
0x7c: {  	_ =	shalt  }
0x7d: {  	_ =	shalt  }
0x7e: {  	_ =	shalt  }
0x7f: {  	_ =	shalt  }
0x80: {  	_ =	shalt  }
0x81: {  	_ =	shalt  }
0x82: {  	_ =	shalt  }
0x83: {  	_ =	shalt  }
0x84: {  	_ =	shalt  }
0x85: {  	_ =	shalt  }
0x86: {  	_ =	shalt  }
0x87: {  	_ =	shalt  }
.Lfunc_end0:
.L_simem_size_0:
called_computation_lowered:
.L_overlay_start_0:
0x88: {  	s2 =	sld [smem:$0x3FD9]  }
0x89: {  	s3 =	sld [smem:$0x3FFE];
	_ =	sdelay $0x1  }
0x8a: {  	s1 =	srdreg.scid  }
0x8b: {  	s0 =	sand.u32 $0x1, s1  }
0x8c: {  	s12 =	sshll.u32 s0, $0xA;
	s2 =	sadd.s32 s3, s2  }
0x8d: {  	s2 =	sadd.s32 s2, s12  }
0x8e: {  	[smem:$0x3FC6] =	sst s2  }
0x8f: {  	_ = 	snop  }
0x90: {  	s13 =	sld [smem:$0x3FC8]  }
0x91: {  	s4 =	sld [smem:$0x3FD0];
	(tm) =	ssettm $0x1  }
0x92: {  	s14 =	sld [smem:$0x3FFB];
	_ =	sdelay $0x3  }
0x93: {  	_ =	strace s14  }
0x94: {  	s2 =	sld [smem:$0x3FFC];
	_ =	sdelay $0x3  }
0x95: {  	_ =	strace s2  }
0x96: {  	s2 =	sld [smem:$0x3FFD];
	_ =	sdelay $0x3  }
0x97: {  	_ =	strace s2  }
0x98: {  	_ =	strace $0x8FFFFFFF  }
0x99: {  	s15 =	sld [smem:$0x3FDB];
	_ =	sdelay $0x1  }
0x9a: {  	s5 =	simm.s32 $_scs_section_size  }
0x9b: {  	s6 =	simm.s32 $_size__tile_overlayer_lowered;
	s7 =	simm.s32 $_tile_overlayer_lowered  }
0x9c: {  	s8 =	simm.s32 $0x1BFF;
	s16 =	sshll.u32 s7, $0x1;
	s5 =	sadd.s32 s5, s15  }
0x9d: {  	s17 =	simm.s32 $0x0;
	s6 =	sshll.u32 s6, $0x1;
	s7 =	sadd.s32 s16, s5  }
0x9e: {  	[timem:s17], [sflag:s8] =	dma.local [hbm:s7], s6  }
0x9f: {  	_ =	swait.ge [sflag:s8], s6  }
0xa0: {  	s6 =	ssub.s32 $0x0, s6;
	[sflag:s8] =	ssyncset.done $0x0  }
0xa1: {  	[sflag:s8] =	ssyncadd.s32 s6;
	_ =	sdelay $0x1  }
0xa2: {  	s18 =	simm.s32 $0x1B8B  }
0xa3: {  	_ =	swait.ge [sflag:s18], $0x1  }
0xa4: {  	[sflag:s18] =	ssyncset.done $0x0  }
0xa5: {  	s20 =	simm.s32 $0x1B8E;
	s19 =	sld [smem:$0x3FFE];
	[sflag:s18] =	ssyncadd.s32 $0xFFFFFFFF  }
0xa6: {  	s21 =	simm.s32 $execute0_lowered;
	[smem:$0x3FD2] =	sst s20  }
0xa7: {  	s7 =	sshll.u32 s21, $0x1;
	_ =	strace $0x80000046;
	[dreg:$0x1] =	wrdreg $0xFFFFFFFF  }
0xa8: {  	s22 =	simm.s32 $_size_execute0_lowered;
	s5 =	sadd.s32 s5, s7;
	[dreg:$0x0] =	wrdreg $0x0  }
0xa9: {  	s7 =	sshll.u32 s22, $0x1;
	[dreg:$0x2] =	wrdreg s5  }
0xaa: {  	[dreg:$0x3] =	wrdreg s7  }
0xab: {  	[dreg:$0x4] =	wrdreg $0xC0  }
0xac: {  	_ =	task [dreg:s17], $0x5FFFF  }
0xad: {  	[dreg:$0x1] =	wrdreg $0xFFFFFFFF  }
0xae: {  	[dreg:$0x0] =	wrdreg $0x60  }
0xaf: {  	[dreg:$0x2] =	wrdreg s19  }
0xb0: {  	[dreg:$0x3] =	wrdreg s4  }
0xb1: {  	[dreg:$0x4] =	wrdreg $0x6000  }
0xb2: {  	[dreg:$0x5] =	wrdreg $0x9  }
0xb3: {  	s23 =	simm.s32 $0xA;
	s24 =	simm.s32 $0xC00;
	_ =	task.clear_ibuf [dreg:s17], $0x6FFFF  }
0xb4: {  	[spmem:s24], [sflag:s23] =	dma.local [hbm:s13], $0x1E850  }
0xb5: {  	_ =	swait.ge [sflag:s23], $0x1E850  }
0xb6: {  	[sflag:s23] =	ssyncset.done $0x0  }
0xb7: {  	[sflag:s23] =	ssyncadd.s32 $0xFFFE17B0  }
0xb8: {  	s25 =	sld [smem:$0x0];
	_ =	sdelay $0x2  }
0xb9: {  	s26 =	sshrl.u32 s1, $0x2  }
0xba: {  	s28 =	sand.u32 $0x3, s1;
	s3 =	sadd.s32 s26, s25  }
0xbb: {  	s5 =	sshll.u32 s28, $0xE;
	s3 =	sshll.u32 s3, $0x11  }
0xbc: {  	s3 =	sor.u32 s3, s5  }
0xbd: {  	s3 =	sor.u32 $0x11C06, s3  }
0xbe: {  	[sflag:s3] =	ssyncadd.remote.s32 $0x1  }
0xbf: {  	_ =	strace $0x90000046  }
0xc0: {  	s29 =	simm.s32 $0x9;
	_ =	strace $0x80000048  }
0xc1: {  	_ =	swait.ge [sflag:s29], $0x1  }
0xc2: {  	[sflag:s29] =	ssyncadd.s32 $0xFFFFFFFF  }
0xc3: {  	_ =	strace $0x90000048  }
0xc4: {  	_ =	sfence  }
0xc5: {  	s30 =	sld [smem:$0x0];
	_ =	sdelay $0x2  }
0xc6: {  	s1 =	sshll.u32 s1, $0xD  }
0xc7: {  	s1 =	sand.u32 $0x4000, s1;
	s3 =	sadd.s32 s26, s30  }
0xc8: {  	s0 =	sor.u32 s1, s0;
	s31 =	sshll.u32 s3, $0x11  }
0xc9: {  	s0 =	sor.u32 s31, s0  }
0xca: {  	s0 =	sadd.s32 $0x8F2B, s0  }
0xcb: {  	[sflag:s0] =	ssyncadd.remote.s32 $0x1  }
0xcc: {  	_ =	sfence.sel $0xFFFF  }
0xcd: {  	[dreg:$0x0] =	wrdreg $0xFFFFFFFF;
	(pc) =	sbr.abs _section_cstart, $3  }
0xce: {  	[dreg:$0x1] =	wrdreg $0xFFFFFFFF  }
0xcf: {  	_ =	task.clear_ibuf [dreg:s17], $0x2FFFF;
	_ =	strace $0x9FFFFFFF  }
0xd0: {  	(tm) =	ssettm $0x7FFFFFFF  }
0xd1: {  	_ =	shalt  }
tec
execute0_lowered:
.L_overlay_start_1:
0x0: {  	(tag) =	ssettag $0x1  }
0x1: {  	s3 =	rddreg [dreg:$0x0]  }
0x2: {  	s4 =	rddreg [dreg:$0x1]  }
0x3: {  	s1 =	rddreg [dreg:$0x2]  }
0x4: {  	s0 =	rddreg [dreg:$0x3];
	s2 =	simm.s32 $0x0;
	s5 =	srdreg.scid  }
0x5: {  	s9 =	stileid.u32;
	s11 =	simm.s32 $0x200;
	s12 =	simm.s32 $0x400  }
0x6: {  	s13 =	simm.s32 $0x280;
	s14 =	simm.s32 $0x480;
	s15 =	simm.s32 $0x300  }
0x7: {  	s16 =	simm.s32 $0x500;
	s17 =	simm.s32 $0x380;
	s18 =	simm.s32 $0x580  }
0x8: {  	s19 =	simm.s32 $0x1;
	s20 =	simm.s32 $0x2;
	s21 =	simm.s32 $0x3  }
0x9: {  	s22 =	simm.s32 $0x4;
	s23 =	simm.s32 $0x5;
	[smem:$0x7FF] =	sst s2  }
0xa: {  	s5 =	sand.u32 $0x1, s5;
	s6 =	sshll.u32 s9, $0x7;
	p0 =	sne.s32 s9, $0x0  }
0xb: {  	s9 =	simm.s32 $0x7;
	s7 =	sshll.u32 s5, $0x6;
	s5 =	ssub.s32 $0x2, s5  }
0xc: {  	_ =	strace $0x80000047;
	s6 =	sor.u32 s7, s6;
	s31 =	sshrl.u32 s5, $0x1  }
0xd: {  	s8 =	sadd.s32 s6, s3;
	s10 =	ssub.s32 s5, s31;
	s3 =	sadd.s32 s4, s6  }
0xe: {  	s4 =	sadd.s32 $0x400, s8;
	s5 =	sadd.s32 $0x10, s3;
	s6 =	sadd.s32 $0x20, s3  }
0xf: {  	s7 =	sadd.s32 $0x30, s3;
	s8 =	smax.u32 s10, $0x1;
	s10 =	simm.s32 $0x80  }
.LBB2_1:
0x10: {  	[tilespmem:s2], [sflag:$0x7] =	stream.linear.gather [hbm4b:s4+s2], $0x200, $0x38;
	[tilespmem:$0xFA28] =	vst v63  }
0x11: {  	_ =	swait.ge [sflag:s9], $0x200  }
0x12: {  	[sflag:s9] =	ssyncset.done $0x0  }
0x13: {  	[sflag:s9] =	ssyncadd.s32 $0xFFFFFE00  }
0x14: {  	v0 =	vld [tilespmem:$0x0]  }
0x15: {  	v1 =	vld [tilespmem:$0x10]  }
0x16: {  	v2 =	vld [tilespmem:$0x20]  }
0x17: {  	v3 =	vld [tilespmem:$0x30]  }
0x18: {  	v4 =	vld [tilespmem:$0x40]  }
0x19: {  	v5 =	vld [tilespmem:$0x50]  }
0x1a: {  	v6 =	vld [tilespmem:$0x60]  }
0x1b: {  	v7 =	vld [tilespmem:$0x70]  }
0x1c: {  	v8 =	vld [tilespmem:$0x80]  }
0x1d: {  	v9 =	vld [tilespmem:$0x90]  }
0x1e: {  	v10 =	vld [tilespmem:$0xA0]  }
0x1f: {  	v11 =	vld [tilespmem:$0xB0]  }
0x20: {  	v12 =	vld [tilespmem:$0xC0]  }
0x21: {  	v13 =	vld [tilespmem:$0xD0]  }
0x22: {  	v14 =	vld [tilespmem:$0xE0]  }
0x23: {  	v15 =	vld [tilespmem:$0xF0]  }
0x24: {  	v16 =	vld [tilespmem:$0x100]  }
0x25: {  	v17 =	vld [tilespmem:$0x110]  }
0x26: {  	v18 =	vld [tilespmem:$0x120]  }
0x27: {  	v19 =	vld [tilespmem:$0x130]  }
0x28: {  	v20 =	vld [tilespmem:$0x140];
	v0 =	vadd.f32 $5.000000000e+05, v0;
	v1 =	vadd.f32 $5.000000000e+05, v1  }
0x29: {  	v21 =	vld [tilespmem:$0x150];
	v2 =	vadd.f32 $5.000000000e+05, v2;
	v3 =	vadd.f32 $5.000000000e+05, v3  }
0x2a: {  	v22 =	vld [tilespmem:$0x160];
	v4 =	vadd.f32 $5.000000000e+05, v4;
	v5 =	vadd.f32 $5.000000000e+05, v5  }
0x2b: {  	v58 =	vld [tilespmem:$0x170];
	v6 =	vadd.f32 $5.000000000e+05, v6;
	v7 =	vadd.f32 $5.000000000e+05, v7  }
0x2c: {  	v60 =	vld [tilespmem:$0x180];
	v8 =	vadd.f32 $5.000000000e+05, v8;
	v9 =	vadd.f32 $5.000000000e+05, v9  }
0x2d: {  	v23 =	vld [tilespmem:$0x190];
	v10 =	vadd.f32 $5.000000000e+05, v10;
	v11 =	vadd.f32 $5.000000000e+05, v11  }
0x2e: {  	v26 =	vld [tilespmem:$0x1A0];
	v12 =	vadd.f32 $5.000000000e+05, v12;
	v13 =	vadd.f32 $5.000000000e+05, v13  }
0x2f: {  	v32 =	vld [tilespmem:$0x1B0];
	v14 =	vadd.f32 $5.000000000e+05, v14;
	v15 =	vadd.f32 $5.000000000e+05, v15  }
0x30: {  	v36 =	vld [tilespmem:$0x1D0];
	v16 =	vadd.f32 $5.000000000e+05, v16;
	v17 =	vadd.f32 $5.000000000e+05, v17  }
0x31: {  	v37 =	vld [tilespmem:$0x1E0];
	v18 =	vadd.f32 $5.000000000e+05, v18;
	v19 =	vadd.f32 $5.000000000e+05, v19  }
0x32: {  	v38 =	vld [tilespmem:$0x1F0];
	v20 =	vadd.f32 $5.000000000e+05, v20;
	v21 =	vadd.f32 $5.000000000e+05, v21  }
0x33: {  	v59 =	vadd.f32 $5.000000000e+05, v22;
	v28 =	vadd.f32 $5.000000000e+05, v58  }
0x34: {  	v29 =	vadd.f32 $5.000000000e+05, v60;
	v31 =	vadd.f32 $5.000000000e+05, v23  }
0x35: {  	v33 =	vadd.f32 $5.000000000e+05, v26;
	v35 =	vadd.f32 $5.000000000e+05, v32  }
0x36: {  	v42 =	vadd.f32 $5.000000000e+05, v36;
	v45 =	vadd.f32 $5.000000000e+05, v37  }
0x37: {  	v47 =	vadd.f32 $5.000000000e+05, v38;
	v0 =	vmax.f32 v0, $0.0e+00;
	v1 =	vmax.f32 v1, $0.0e+00  }
0x38: {  	v2 =	vmax.f32 v2, $0.0e+00;
	v3 =	vmax.f32 v3, $0.0e+00;
	v4 =	vmax.f32 v4, $0.0e+00  }
0x39: {  	v5 =	vmax.f32 v5, $0.0e+00;
	v6 =	vmax.f32 v6, $0.0e+00;
	v7 =	vmax.f32 v7, $0.0e+00  }
0x3a: {  	v8 =	vmax.f32 v8, $0.0e+00;
	v9 =	vmax.f32 v9, $0.0e+00;
	v10 =	vmax.f32 v10, $0.0e+00  }
0x3b: {  	v11 =	vmax.f32 v11, $0.0e+00;
	v12 =	vmax.f32 v12, $0.0e+00;
	v13 =	vmax.f32 v13, $0.0e+00  }
0x3c: {  	v14 =	vmax.f32 v14, $0.0e+00;
	v15 =	vmax.f32 v15, $0.0e+00;
	v16 =	vmax.f32 v16, $0.0e+00  }
0x3d: {  	v17 =	vmax.f32 v17, $0.0e+00;
	v18 =	vmax.f32 v18, $0.0e+00;
	v0 =	vmin.f32 v0, $1.000000000e+06  }
0x3e: {  	v1 =	vmin.f32 v1, $1.000000000e+06;
	v2 =	vmin.f32 v2, $1.000000000e+06;
	v3 =	vmin.f32 v3, $1.000000000e+06  }
0x3f: {  	v4 =	vmin.f32 v4, $1.000000000e+06;
	v5 =	vmin.f32 v5, $1.000000000e+06;
	v6 =	vmin.f32 v6, $1.000000000e+06  }
0x40: {  	v7 =	vmin.f32 v7, $1.000000000e+06;
	v8 =	vmin.f32 v8, $1.000000000e+06;
	v9 =	vmin.f32 v9, $1.000000000e+06  }
0x41: {  	v10 =	vmin.f32 v10, $1.000000000e+06;
	v0 =	vadd.f32 $8.388608000e+06, v0;
	v1 =	vadd.f32 $8.388608000e+06, v1  }
0x42: {  	v11 =	vmin.f32 v11, $1.000000000e+06;
	v2 =	vadd.f32 $8.388608000e+06, v2;
	v3 =	vadd.f32 $8.388608000e+06, v3  }
0x43: {  	v12 =	vmin.f32 v12, $1.000000000e+06;
	v4 =	vadd.f32 $8.388608000e+06, v4;
	v5 =	vadd.f32 $8.388608000e+06, v5  }
0x44: {  	v13 =	vmin.f32 v13, $1.000000000e+06;
	v6 =	vadd.f32 $8.388608000e+06, v6;
	v7 =	vadd.f32 $8.388608000e+06, v7  }
0x45: {  	v14 =	vmin.f32 v14, $1.000000000e+06;
	v8 =	vadd.f32 $8.388608000e+06, v8;
	v9 =	vadd.f32 $8.388608000e+06, v9  }
0x46: {  	v15 =	vmin.f32 v15, $1.000000000e+06;
	v10 =	vadd.f32 $8.388608000e+06, v10;
	v11 =	vadd.f32 $8.388608000e+06, v11  }
0x47: {  	v16 =	vmin.f32 v16, $1.000000000e+06;
	v12 =	vadd.f32 $8.388608000e+06, v12;
	v13 =	vadd.f32 $8.388608000e+06, v13  }
0x48: {  	v17 =	vmin.f32 v17, $1.000000000e+06;
	v14 =	vadd.f32 $8.388608000e+06, v14;
	v15 =	vadd.f32 $8.388608000e+06, v15  }
0x49: {  	v18 =	vmin.f32 v18, $1.000000000e+06;
	v16 =	vadd.f32 $8.388608000e+06, v16;
	v17 =	vadd.f32 $8.388608000e+06, v17  }
0x4a: {  	v19 =	vmax.f32 v19, $0.0e+00;
	v18 =	vadd.f32 $8.388608000e+06, v18;
	v0 =	vadd.f32 $-8.388608000e+06, v0  }
0x4b: {  	v55 =	vmax.f32 v20, $0.0e+00;
	v1 =	vadd.f32 $-8.388608000e+06, v1;
	v2 =	vadd.f32 $-8.388608000e+06, v2  }
0x4c: {  	v57 =	vmax.f32 v21, $0.0e+00;
	v3 =	vadd.f32 $-8.388608000e+06, v3;
	v4 =	vadd.f32 $-8.388608000e+06, v4  }
0x4d: {  	v21 =	vmax.f32 v59, $0.0e+00;
	v5 =	vadd.f32 $-8.388608000e+06, v5;
	v6 =	vadd.f32 $-8.388608000e+06, v6  }
0x4e: {  	v30 =	vmax.f32 v28, $0.0e+00;
	v7 =	vadd.f32 $-8.388608000e+06, v7;
	v8 =	vadd.f32 $-8.388608000e+06, v8  }
0x4f: {  	v49 =	vmax.f32 v45, $0.0e+00;
	v9 =	vadd.f32 $-8.388608000e+06, v9;
	v10 =	vadd.f32 $-8.388608000e+06, v10  }
0x50: {  	v11 =	vadd.f32 $-8.388608000e+06, v11;
	v0 =	vtrunc.f32 v0;
	v1 =	vtrunc.f32 v1  }
0x51: {  	v12 =	vadd.f32 $-8.388608000e+06, v12;
	v2 =	vtrunc.f32 v2;
	v3 =	vtrunc.f32 v3  }
0x52: {  	v13 =	vadd.f32 $-8.388608000e+06, v13;
	v4 =	vtrunc.f32 v4;
	v5 =	vtrunc.f32 v5  }
0x53: {  	v14 =	vadd.f32 $-8.388608000e+06, v14;
	v6 =	vtrunc.f32 v6;
	v7 =	vtrunc.f32 v7  }
0x54: {  	v15 =	vadd.f32 $-8.388608000e+06, v15;
	v8 =	vtrunc.f32 v8;
	v9 =	vtrunc.f32 v9  }
0x55: {  	v16 =	vadd.f32 $-8.388608000e+06, v16;
	v10 =	vtrunc.f32 v10;
	v11 =	vtrunc.f32 v11  }
0x56: {  	v17 =	vadd.f32 $-8.388608000e+06, v17;
	v12 =	vtrunc.f32 v12;
	v13 =	vtrunc.f32 v13  }
0x57: {  	v18 =	vadd.f32 $-8.388608000e+06, v18;
	v14 =	vtrunc.f32 v14;
	v15 =	vtrunc.f32 v15  }
0x58: {  	v51 =	vmax.f32 v47, $0.0e+00;
	v16 =	vtrunc.f32 v16;
	v53 =	vtrunc.f32 v17  }
0x59: {  	v19 =	vmin.f32 v19, $1.000000000e+06;
	v54 =	vtrunc.f32 v18;
	v0 =	vcvt.f32.s32 v0  }
0x5a: {  	v25 =	vmin.f32 v21, $1.000000000e+06;
	v1 =	vcvt.f32.s32 v1;
	v2 =	vcvt.f32.s32 v2  }
0x5b: {  	v50 =	vmin.f32 v49, $1.000000000e+06;
	v3 =	vcvt.f32.s32 v3;
	v4 =	vcvt.f32.s32 v4;
	[tilespmem:$0x200] =	vst v0  }
0x5c: {  	v19 =	vadd.f32 $8.388608000e+06, v19;
	v5 =	vcvt.f32.s32 v5;
	v6 =	vcvt.f32.s32 v6;
	[tilespmem:$0x210] =	vst v1  }
0x5d: {  	v27 =	vadd.f32 $8.388608000e+06, v25;
	v7 =	vcvt.f32.s32 v7;
	v8 =	vcvt.f32.s32 v8;
	[tilespmem:$0x220] =	vst v2  }
0x5e: {  	v56 =	vadd.f32 $-8.388608000e+06, v19;
	v9 =	vcvt.f32.s32 v9;
	v10 =	vcvt.f32.s32 v10;
	[tilespmem:$0x230] =	vst v3  }
0x5f: {  	v19 =	vmin.f32 v57, $1.000000000e+06;
	v11 =	vcvt.f32.s32 v11;
	v12 =	vcvt.f32.s32 v12;
	[tilespmem:$0x240] =	vst v4  }
0x60: {  	v62 =	vadd.f32 $8.388608000e+06, v19;
	v13 =	vcvt.f32.s32 v13;
	v14 =	vcvt.f32.s32 v14;
	[tilespmem:$0x250] =	vst v5  }
0x61: {  	v34 =	vld [tilespmem:$0x1C0];
	v18 =	vmin.f32 v55, $1.000000000e+06;
	v15 =	vcvt.f32.s32 v15;
	v16 =	vcvt.f32.s32 v16;
	[tilespmem:$0x260] =	vst v6  }
0x62: {  	v18 =	vadd.f32 $8.388608000e+06, v18;
	v61 =	vcvt.f32.s32 v54;
	v24 =	vadd.f32 $-8.388608000e+06, v62;
	[tilespmem:$0x270] =	vst v7  }
0x63: {  	v52 =	vmin.f32 v51, $1.000000000e+06;
	v0 =	vcvt.f32.s32 v53;
	v1 =	vtrunc.f32 v56;
	[tilespmem:$0x280] =	vst v8  }
0x64: {  	v63 =	vadd.f32 $-8.388608000e+06, v18;
	v4 =	vtrunc.f32 v24;
	v5 =	vadd.f32 $-8.388608000e+06, v27;
	[tilespmem:$0x290] =	vst v9  }
0x65: {  	v7 =	vmin.f32 v30, $1.000000000e+06;
	v6 =	vmax.f32 v29, $0.0e+00;
	[tilespmem:$0x2A0] =	vst v10;
	v8 =	vmax.f32 v31, $0.0e+00  }
0x66: {  	[tilespmem:$0x2B0] =	vst v11;
	v9 =	vmax.f32 v33, $0.0e+00;
	v11 =	vmax.f32 v35, $0.0e+00;
	v10 =	vadd.f32 $5.000000000e+05, v34  }
0x67: {  	[tilespmem:$0x2C0] =	vst v12;
	v53 =	vadd.f32 $8.388608000e+06, v52;
	v1 =	vcvt.f32.s32 v1;
	v4 =	vcvt.f32.s32 v4  }
0x68: {  	[tilespmem:$0x2D0] =	vst v13;
	v7 =	vadd.f32 $8.388608000e+06, v7;
	v6 =	vmin.f32 v6, $1.000000000e+06;
	v8 =	vmin.f32 v8, $1.000000000e+06  }
0x69: {  	[tilespmem:$0x2E0] =	vst v14;
	v9 =	vmin.f32 v9, $1.000000000e+06;
	v11 =	vmin.f32 v11, $1.000000000e+06;
	v3 =	vtrunc.f32 v63  }
0x6a: {  	[tilespmem:$0x2F0] =	vst v15;
	v5 =	vtrunc.f32 v5;
	v6 =	vadd.f32 $8.388608000e+06, v6;
	v8 =	vadd.f32 $8.388608000e+06, v8  }
0x6b: {  	[tilespmem:$0x300] =	vst v16;
	v9 =	vadd.f32 $8.388608000e+06, v9;
	v40 =	vadd.f32 $8.388608000e+06, v11;
	v44 =	vmax.f32 v10, $0.0e+00  }
0x6c: {  	[tilespmem:$0x320] =	vst v61;
	v58 =	vadd.f32 $-8.388608000e+06, v53;
	v3 =	vcvt.f32.s32 v3;
	v7 =	vadd.f32 $-8.388608000e+06, v7  }
0x6d: {  	[tilespmem:$0x310] =	vst v0;
	v5 =	vcvt.f32.s32 v5;
	v46 =	vmin.f32 v44, $1.000000000e+06;
	v6 =	vadd.f32 $-8.388608000e+06, v6  }
0x6e: {  	[tilespmem:$0x330] =	vst v1;
	v8 =	vadd.f32 $-8.388608000e+06, v8;
	v9 =	vadd.f32 $-8.388608000e+06, v9;
	v62 =	vtrunc.f32 v58  }
0x6f: {  	[tilespmem:$0x350] =	vst v4;
	v43 =	vadd.f32 $-8.388608000e+06, v40;
	v7 =	vtrunc.f32 v7;
	v63 =	vcvt.f32.s32 v62  }
0x70: {  	[tilespmem:$0x340] =	vst v3;
	v3 =	vadd.f32 $8.388608000e+06, v46;
	v7 =	vcvt.f32.s32 v7;
	v8 =	vtrunc.f32 v8  }
0x71: {  	[tilespmem:$0x360] =	vst v5;
	v6 =	vtrunc.f32 v6;
	v41 =	vcvt.f32.s32 v8;
	v8 =	vmax.f32 v42, $0.0e+00  }
0x72: {  	v5 =	vadd.f32 $8.388608000e+06, v50;
	v6 =	vcvt.f32.s32 v6;
	[tilespmem:$0x3F0] =	vst v63;
	v48 =	vmin.f32 v8, $1.000000000e+06  }
0x73: {  	v39 =	vtrunc.f32 v9;
	v3 =	vadd.f32 $-8.388608000e+06, v3;
	[tilespmem:$0x370] =	vst v7;
	v4 =	vadd.f32 $8.388608000e+06, v48  }
0x74: {  	v1 =	vtrunc.f32 v43;
	v0 =	vcvt.f32.s32 v39;
	v55 =	vadd.f32 $-8.388608000e+06, v5;
	[tilespmem:$0x380] =	vst v6  }
0x75: {  	v1 =	vcvt.f32.s32 v1;
	[tilespmem:$0x390] =	vst v41;
	v54 =	vtrunc.f32 v3;
	v4 =	vadd.f32 $-8.388608000e+06, v4  }
0x76: {  	[tilespmem:$0x3A0] =	vst v0;
	v60 =	vtrunc.f32 v55;
	v56 =	vcvt.f32.s32 v54  }
0x77: {  	[tilespmem:$0x3B0] =	vst v1;
	v61 =	vcvt.f32.s32 v60;
	v57 =	vtrunc.f32 v4  }
0x78: {  	[tilespmem:$0x3C0] =	vst v56;
	v59 =	vcvt.f32.s32 v57  }
0x79: {  	[tilespmem:$0x3E0] =	vst v61  }
0x7a: {  	s24 =	simm.s32 @!p0 $0x6;
	[tilespmem:$0x3D0] =	vst v59  }
0x7b: {  	_ =	swait.ge @!p0 [sflag:s24], $0x1  }
0x7c: {  	[sflag:s24] =	ssyncset.done @!p0 $0x0  }
0x7d: {  	[sflag:s24] =	ssyncadd.s32 @!p0 $0xFFFFFFFF  }
0x7e: {  	[bflag:$0x0] =	sbarrier.arrive $0xFFFF  }
0x7f: {  	[tilespmem:s12], [sflag:$0x1] =	stream.indirect.gather [spmem:s1], $0x1, s11, s10, $0xb8;
	[tilespmem:$0xFA28] =	vst v63  }
0x80: {  	_ = 	snop  }
0x81: {  	[tilespmem:s14], [sflag:$0x2] =	stream.indirect.gather [spmem:s1], $0x1, s13, s10, $0xb8;
	[tilespmem:$0xFA28] =	vst v63  }
0x82: {  	_ = 	snop  }
0x83: {  	[tilespmem:s16], [sflag:$0x3] =	stream.indirect.gather [spmem:s1], $0x1, s15, s10, $0xb8;
	[tilespmem:$0xFA28] =	vst v63  }
0x84: {  	_ = 	snop  }
0x85: {  	[tilespmem:s18], [sflag:$0x4] =	stream.indirect.gather [spmem:s1], $0x1, s17, s10, $0xb8;
	[tilespmem:$0xFA28] =	vst v63  }
0x86: {  	_ =	swait.ge [sflag:s19], $0x80  }
0x87: {  	[sflag:s19] =	ssyncset.done $0x0  }
0x88: {  	[sflag:s19] =	ssyncadd.s32 $0xFFFFFF80  }
0x89: {  	[hbm4b:s3+s2] =	stream.linear.scatter [tilespmem:s12], [sflag:$0x5], $0x80, $0x38;
	[tilespmem:$0xFA28] =	vst v63  }
0x8a: {  	_ =	swait.ge [sflag:s20], $0x80  }
0x8b: {  	[sflag:s20] =	ssyncset.done $0x0  }
0x8c: {  	[sflag:s20] =	ssyncadd.s32 $0xFFFFFF80  }
0x8d: {  	[hbm4b:s5+s2] =	stream.linear.scatter [tilespmem:s14], [sflag:$0x5], $0x80, $0x38;
	[tilespmem:$0xFA28] =	vst v63  }
0x8e: {  	_ =	swait.ge [sflag:s21], $0x80  }
0x8f: {  	[sflag:s21] =	ssyncset.done $0x0  }
0x90: {  	[sflag:s21] =	ssyncadd.s32 $0xFFFFFF80  }
0x91: {  	[hbm4b:s6+s2] =	stream.linear.scatter [tilespmem:s16], [sflag:$0x5], $0x80, $0x38;
	[tilespmem:$0xFA28] =	vst v63  }
0x92: {  	_ =	swait.ge [sflag:s22], $0x80  }
0x93: {  	[sflag:s22] =	ssyncset.done $0x0  }
0x94: {  	[sflag:s22] =	ssyncadd.s32 $0xFFFFFF80  }
0x95: {  	[hbm4b:s7+s2] =	stream.linear.scatter [tilespmem:s18], [sflag:$0x5], $0x80, $0x38;
	[tilespmem:$0xFA28] =	vst v63  }
0x96: {  	_ =	swait.ge [sflag:s23], $0x80  }
0x97: {  	[sflag:s23] =	ssyncset.done $0x0  }
0x98: {  	[sflag:s23] =	ssyncadd.s32 $0xFFFFFF80  }
0x99: {  	_ =	swait.ge [sflag:s23], $0x80  }
0x9a: {  	[sflag:s23] =	ssyncset.done $0x0  }
0x9b: {  	s8 =	sadd.s32 $0xFFFFFFFF, s8;
	[sflag:s23] =	ssyncadd.s32 $0xFFFFFF80  }
0x9c: {  	p1 =	sne.s32 s8, $0x0;
	_ =	swait.ge [sflag:s23], $0x80  }
.Ltmp0:
0x9d: {  	[sflag:s23] =	ssyncset.done $0x0;
	(pc) =	sbr.rel @p1 .LBB2_1-.Ltmp0, $4  }
0x9e: {  	[sflag:s23] =	ssyncadd.s32 $0xFFFFFF80  }
0x9f: {  	_ =	swait.ge [sflag:s23], $0x80  }
0xa0: {  	[sflag:s23] =	ssyncset.done $0x0  }
0xa1: {  	[sflag:s23] =	ssyncadd.s32 $0xFFFFFF80  }
0xa2: {  	_ =	sfence.sel $0x180000  }
0xa3: {  	[bflag:$0x0] =	sbarrier.arrive $0xFFFF  }
0xa4: {  	_ =	strace $0x90000047  }
0xa5: {  	s0 =	sadd.s32 @!p0 $0x100000, s0;
	[bflag:$0x2] =	sbarrier.arrive $0xFFFF  }
0xa6: {  	[sflag:s0] =	ssyncadd.tile.s32 @!p0 $0x1;
	_ =	shalt  }
.Lfunc_end2:
_tile_overlayer_lowered:
.L_overlay_start_2:
0xa7: {  	(tag) =	ssettag $0x2  }
0xa8: {  	s0 =	rddreg [dreg:$0x0];
	s2 =	stileid.u32  }
0xa9: {  	s1 =	rddreg [dreg:$0x1];
	p0 =	sne.s32 s2, $0x0  }
0xaa: {  	s3 =	rddreg [dreg:$0x2];
	[bflag:$0x3] =	sbarrier.arrive $0xFFFF;
	s2 =	simm.s32 @!p0 $0x1C07  }
0xab: {  	[timem:s3], [sflag:s2] =	dma.local @!p0 [hbm:s0], s1  }
0xac: {  	s0 =	simm.s32 @!p0 $0x7  }
0xad: {  	_ =	swait.ge @!p0 [sflag:s0], s1  }
0xae: {  	s1 =	ssub.s32 @!p0 $0x0, s1;
	[sflag:s0] =	ssyncset.done @!p0 $0x0  }
0xaf: {  	[sflag:s0] =	ssyncadd.s32 @!p0 s1  }
0xb0: {  	[bflag:$0x3] =	sbarrier.arrive $0xFFFF  }
0xb1: {  	_ =	shalt  }

</sc_bundles>
